<compile_context>
chip_gen: v7x
topology: tpu7x:2x2x1
jax: 0.10.2.dev20260603
libtpu: 0.0.44.dev20260713+nightly
codegen_flags: <defaults>
</compile_context>

<pallas_src>
import jax
import jax.numpy as jnp
from jax import lax
from jax.experimental import pallas as pl
from jax.experimental.pallas import tpu as pltpu
from jax.experimental.pallas import tpu_sc as plsc

_MAXV = 1024
_D = 32
_B = 4096
_HW = 196
_IDXB = 3 * _HW
_NC = 2
_NS = 16
_NW = _NC * _NS
_BPW = _B // _NW
_CB = 8
_CHUNKI = _CB * _IDXB
_OUT = _D * _HW
_OUTB = _OUT + 16


def _sc_body(tbl_hbm, idx_hbm, out_hbm, tbl_v, idx_v, out_v, sem):
    wid = lax.axis_index("s") * _NC + lax.axis_index("c")
    pltpu.sync_copy(tbl_hbm, tbl_v)
    idx_v[pl.ds(_CHUNKI, 16)] = jnp.zeros((16,), jnp.int32)
    lane = lax.iota(jnp.int32, 16)

    def batch_body(t, carry):
        b = wid * _BPW + t

        @pl.when(t % _CB == 0)
        def _():
            off = pl.multiple_of(b * _IDXB, 8)
            pltpu.sync_copy(idx_hbm.at[pl.ds(off, _CHUNKI)],
                            idx_v.at[pl.ds(0, _CHUNKI)])

        @pl.when(t >= 2)
        def _():
            pltpu.make_async_copy(out_v.at[pl.ds(0, _OUT)],
                                  out_hbm.at[pl.ds(0, _OUT)], sem).wait()

        sbase = (t % 2) * _OUTB
        ibase = (t % _CB) * _IDXB

        def do_group(p0):
            r0 = plsc.load_gather(idx_v, [lane + (ibase + p0)]) * _D
            r1 = (plsc.load_gather(idx_v, [lane + (ibase + _HW + p0)])
                  + _MAXV) * _D
            r2 = (plsc.load_gather(idx_v, [lane + (ibase + 2 * _HW + p0)])
                  + 2 * _MAXV) * _D
            for d in range(_D):
                v = (plsc.load_gather(tbl_v, [r0 + d])
                     + plsc.load_gather(tbl_v, [r1 + d])
                     + plsc.load_gather(tbl_v, [r2 + d]))
                plsc.store_scatter(out_v, [lane + (sbase + d * _HW + p0)], v)

        do_group(192)

        def g_body(g, carry2):
            do_group(g * 16)
            return carry2

        lax.fori_loop(0, 12, g_body, 0)
        pltpu.async_copy(out_v.at[pl.ds(sbase, _OUT)],
                         out_hbm.at[pl.ds(pl.multiple_of(b * _OUT, 8), _OUT)],
                         sem)
        return carry

    lax.fori_loop(0, _BPW, batch_body, 0)
    for _ in range(2):
        pltpu.make_async_copy(out_v.at[pl.ds(0, _OUT)],
                              out_hbm.at[pl.ds(0, _OUT)], sem).wait()


def kernel(inputs, table):
    idx = inputs.reshape(_B * _IDXB)
    tbl = table.reshape(-1)
    mesh = plsc.VectorSubcoreMesh(
        core_axis_name="c", subcore_axis_name="s",
        num_cores=_NC, num_subcores=_NS)
    out = pl.kernel(
        _sc_body,
        out_type=jax.ShapeDtypeStruct((_B * _OUT,), jnp.float32),
        mesh=mesh,
        compiler_params=pltpu.CompilerParams(needs_layout_passes=False),
        scratch_types=[
            pltpu.VMEM((3 * _MAXV * _D,), jnp.float32),
            pltpu.VMEM((_CHUNKI + 16,), jnp.int32),
            pltpu.VMEM((2 * _OUTB,), jnp.float32),
            pltpu.SemaphoreType.DMA,
        ],
    )(tbl, idx)
    return out.reshape(_B, _D, 14, 14)

# --- scband reference (transcript-rebuilt; emitter-appended) ---
"""Pipeline reference for scband-image-bowembedding-43301860278693 (READ-ONLY COPY).

The authoritative reference and input builder live on the scoring server;
editing this copy changes nothing except your own understanding.
"""

import jax, jax.numpy as jnp
import numpy as np

MAX_VALUE = 1024
EMBED_DIM = 32
B, C, H, W = 4096, 3, 14, 14


def setup_inputs(seed: int = 0) -> dict:
    key = jax.random.key(seed)
    k1, k2 = jax.random.split(key)
    inputs = jax.random.randint(k1, (B, C, H, W), 0, MAX_VALUE, dtype=jnp.int32)
    table = jax.random.normal(k2, (3 * MAX_VALUE, EMBED_DIM), dtype=jnp.float32) * 0.02
    return {"inputs": inputs, "table": table}


def reference(inputs, table):
    # offsets per BOW channel: [0, max_value, 2*max_value]
    offsets = jnp.array([0, MAX_VALUE, 2 * MAX_VALUE], dtype=jnp.int32)
    idx = inputs + offsets[None, :, None, None]  # [B, 3, H, W]
    emb = jnp.take(table, idx, axis=0)           # [B, 3, H, W, D] gather
    summed = emb.sum(axis=1)                     # [B, H, W, D] bag-of-words sum
    out = jnp.transpose(summed, (0, 3, 1, 2))    # [B, D, H, W]
    return out

if __name__ == "__main__":
    import jax
    _d = setup_inputs()
    print(jax.jit(kernel)(*tuple(_d.values())))

</pallas_src>

<mosaic_0001>
#map = affine_map<(d0, d1) -> (0)>
module attributes {stable_mosaic.version = 14 : i64} {
  func.func @_sc_body(%arg0: i32, %arg1: i32, %arg2: memref<98304xf32, #tpu.memory_space<hbm>>, %arg3: memref<2408448xi32, #tpu.memory_space<hbm>>, %arg4: memref<25690112xf32, #tpu.memory_space<hbm>>, %arg5: memref<98304xf32, #tpu.memory_space<vmem>>, %arg6: memref<4720xi32, #tpu.memory_space<vmem>>, %arg7: memref<12576xf32, #tpu.memory_space<vmem>>, %arg8: memref<!tpu.dma_semaphore, #tpu.memory_space<semaphore_mem>>) attributes {dimension_semantics = [#tpu.dimension_semantics<core_parallel>, #tpu.dimension_semantics<subcore_parallel>], iteration_bounds = array<i64: 2, 16>, scalar_prefetch = 0 : i64, scratch_operands = 4 : i64, tpu.core_type = #tpu.core_type<sc_vector_subcore>, window_params = [{transform_indices = #map}, {transform_indices = #map}, {transform_indices = #map}]} {
    %mul3A = arith.constant 2 : i32
    %mul3A_0 = arith.muli %arg1, %mul3A : i32
    %add3A = arith.addi %mul3A_0, %arg0 : i32
    "tpu.region"() ({
      %run_scoped3A = tpu.sem_alloc : memref<!tpu.dma_semaphore, #tpu.memory_space<semaphore_mem>>
      tpu.enqueue_dma source(%arg2 : memref<98304xf32, #tpu.memory_space<hbm>>) target(%arg5 : memref<98304xf32, #tpu.memory_space<vmem>>) target_semaphore(%run_scoped3A : memref<!tpu.dma_semaphore, #tpu.memory_space<semaphore_mem>>)
      tpu.wait_dma2 semaphore(%run_scoped3A : memref<!tpu.dma_semaphore, #tpu.memory_space<semaphore_mem>>) src(%arg2 : memref<98304xf32, #tpu.memory_space<hbm>>) dst(%arg5 : memref<98304xf32, #tpu.memory_space<vmem>>)
      tpu.yield
    }) : () -> ()
    %broadcast_in_dim3A = arith.constant 0 : i32
    %broadcast_in_dim3A_1 = vector.broadcast %broadcast_in_dim3A : i32 to vector<16xi32>
    %swap3A = arith.constant 4704 : index
    %swap3A_2 = tpu.vector_load %arg6[%swap3A] {strides = array<i32>} : memref<4720xi32, #tpu.memory_space<vmem>>, vector<16xi32>,
    tpu.vector_store %arg6[%swap3A], %broadcast_in_dim3A_1 {strides = array<i32>} : memref<4720xi32, #tpu.memory_space<vmem>>, vector<16xi32>,
    %iota3A = tpu.iota {dimensions = array<i32: 0>} : vector<16xi32>
    %scan3A = arith.constant 0 : i32
    %scan3A_3 = arith.constant 0 : i32
    %scan3A_4 = arith.constant 128 : i32
    %scan3A_5 = arith.addi %scan3A_3, %scan3A_4 : i32
    %scan3A_6 = arith.constant 1 : i32
    scf.for %scan3A_23 = %scan3A_3 to %scan3A_5 step %scan3A_6  : i32 {
      %mul3A_24 = arith.constant 128 : i32
      %mul3A_25 = arith.muli %add3A, %mul3A_24 : i32
      %add3A_26 = arith.addi %mul3A_25, %scan3A_23 : i32
      %jit3A = arith.constant 8 : i32
      %eq3A = arith.constant 0 : i32
      %eq3A_27 = arith.cmpi eq, %jit3A, %eq3A : i32
      %jit3A_28 = arith.constant 1 : i32
      %select_n3A = arith.select %eq3A_27, %jit3A_28, %jit3A : i32
      %rem3A = arith.remsi %scan3A_23, %select_n3A : i32
      %ne3A = arith.constant 0 : i32
      %ne3A_29 = arith.cmpi ne, %rem3A, %ne3A : i32
      %lt3A = arith.constant 0 : i32
      %lt3A_30 = arith.cmpi slt, %rem3A, %lt3A : i32
      %lt3A_31 = arith.constant 0 : i32
      %lt3A_32 = arith.cmpi slt, %select_n3A, %lt3A_31 : i32
      %ne3A_33 = arith.xori %lt3A_30, %lt3A_32 : i1
      %and3A = arith.andi %ne3A_33, %ne3A_29 : i1
      %add3A_34 = arith.addi %rem3A, %select_n3A : i32
      %select_n3A_35 = arith.select %and3A, %add3A_34, %rem3A : i32
      %eq3A_36 = arith.constant 0 : i32
      %eq3A_37 = arith.cmpi eq, %select_n3A_35, %eq3A_36 : i32
      %convert_element_type3A = arith.extui %eq3A_37 : i1 to i32
      %cond3A = arith.constant 0 : i32
      %cond3A_38 = arith.cmpi ne, %convert_element_type3A, %cond3A : i32
      scf.if %cond3A_38 {
        %mul3A_763 = arith.constant 588 : i32
        %mul3A_764 = arith.muli %add3A_26, %mul3A_763 : i32
        %multiple_of3A_765 = tpu.assume_multiple %mul3A_764, 8 : i32
        "tpu.region"() ({
          %run_scoped3A = tpu.sem_alloc : memref<!tpu.dma_semaphore, #tpu.memory_space<semaphore_mem>>
          %dma_start3A_766 = arith.constant 0 : i32
          %dma_start3A_767 = tpu.memref_slice %arg6[%dma_start3A_766] : memref<4720xi32, #tpu.memory_space<vmem>> -> memref<4704xi32, #tpu.memory_space<vmem>>
          %dma_start3A_768 = tpu.memref_slice %arg3[%multiple_of3A_765] : memref<2408448xi32, #tpu.memory_space<hbm>> -> memref<4704xi32, #tpu.memory_space<hbm>>
          %dma_start3A_769 = arith.constant 0 : i32
          %dma_start3A_770 = tpu.memref_slice %arg6[%dma_start3A_769] : memref<4720xi32, #tpu.memory_space<vmem>> -> memref<4704xi32, #tpu.memory_space<vmem>>
          %dma_start3A_771 = tpu.memref_slice %arg3[%multiple_of3A_765] : memref<2408448xi32, #tpu.memory_space<hbm>> -> memref<4704xi32, #tpu.memory_space<hbm>>
          tpu.enqueue_dma source(%dma_start3A_771 : memref<4704xi32, #tpu.memory_space<hbm>>) target(%dma_start3A_770 : memref<4704xi32, #tpu.memory_space<vmem>>) target_semaphore(%run_scoped3A : memref<!tpu.dma_semaphore, #tpu.memory_space<semaphore_mem>>)
          %dma_wait3A_772 = arith.constant 0 : i32
          %dma_wait3A_773 = tpu.memref_slice %arg6[%dma_wait3A_772] : memref<4720xi32, #tpu.memory_space<vmem>> -> memref<4704xi32, #tpu.memory_space<vmem>>
          %dma_wait3A_774 = tpu.memref_slice %arg3[%multiple_of3A_765] : memref<2408448xi32, #tpu.memory_space<hbm>> -> memref<4704xi32, #tpu.memory_space<hbm>>
          %dma_wait3A_775 = arith.constant 0 : i32
          %dma_wait3A_776 = tpu.memref_slice %arg6[%dma_wait3A_775] : memref<4720xi32, #tpu.memory_space<vmem>> -> memref<4704xi32, #tpu.memory_space<vmem>>
          %dma_wait3A_777 = tpu.memref_slice %arg3[%multiple_of3A_765] : memref<2408448xi32, #tpu.memory_space<hbm>> -> memref<4704xi32, #tpu.memory_space<hbm>>
          tpu.wait_dma2 semaphore(%run_scoped3A : memref<!tpu.dma_semaphore, #tpu.memory_space<semaphore_mem>>) src(%dma_wait3A_777 : memref<4704xi32, #tpu.memory_space<hbm>>) dst(%dma_wait3A_776 : memref<4704xi32, #tpu.memory_space<vmem>>)
          tpu.yield
        }) : () -> ()
      } else {
      }
      %ge3A = arith.constant 2 : i32
      %ge3A_39 = arith.cmpi sge, %scan3A_23, %ge3A : i32
      %convert_element_type3A_40 = arith.extui %ge3A_39 : i1 to i32
      %cond3A_41 = arith.constant 0 : i32
      %cond3A_42 = arith.cmpi ne, %convert_element_type3A_40, %cond3A_41 : i32
      scf.if %cond3A_42 {
        %dma_wait3A_763 = arith.constant 0 : i32
        %dma_wait3A_764 = tpu.memref_slice %arg7[%dma_wait3A_763] : memref<12576xf32, #tpu.memory_space<vmem>> -> memref<6272xf32, #tpu.memory_space<vmem>>
        %dma_wait3A_765 = arith.constant 0 : i32
        %dma_wait3A_766 = tpu.memref_slice %arg4[%dma_wait3A_765] : memref<25690112xf32, #tpu.memory_space<hbm>> -> memref<6272xf32, #tpu.memory_space<hbm>>
        %dma_wait3A_767 = arith.constant 0 : i32
        %dma_wait3A_768 = tpu.memref_slice %arg4[%dma_wait3A_767] : memref<25690112xf32, #tpu.memory_space<hbm>> -> memref<6272xf32, #tpu.memory_space<hbm>>
        %dma_wait3A_769 = arith.constant 0 : i32
        %dma_wait3A_770 = tpu.memref_slice %arg7[%dma_wait3A_769] : memref<12576xf32, #tpu.memory_space<vmem>> -> memref<6272xf32, #tpu.memory_space<vmem>>
        tpu.wait_dma2 semaphore(%arg8 : memref<!tpu.dma_semaphore, #tpu.memory_space<semaphore_mem>>) src(%dma_wait3A_770 : memref<6272xf32, #tpu.memory_space<vmem>>) dst(%dma_wait3A_768 : memref<6272xf32, #tpu.memory_space<hbm>>)
      } else {
      }
      %jit3A_43 = arith.constant 2 : i32
      %eq3A_44 = arith.constant 0 : i32
      %eq3A_45 = arith.cmpi eq, %jit3A_43, %eq3A_44 : i32
      %jit3A_46 = arith.constant 1 : i32
      %select_n3A_47 = arith.select %eq3A_45, %jit3A_46, %jit3A_43 : i32
      %rem3A_48 = arith.remsi %scan3A_23, %select_n3A_47 : i32
      %ne3A_49 = arith.constant 0 : i32
      %ne3A_50 = arith.cmpi ne, %rem3A_48, %ne3A_49 : i32
      %lt3A_51 = arith.constant 0 : i32
      %lt3A_52 = arith.cmpi slt, %rem3A_48, %lt3A_51 : i32
      %lt3A_53 = arith.constant 0 : i32
      %lt3A_54 = arith.cmpi slt, %select_n3A_47, %lt3A_53 : i32
      %ne3A_55 = arith.xori %lt3A_52, %lt3A_54 : i1
      %and3A_56 = arith.andi %ne3A_55, %ne3A_50 : i1
      %add3A_57 = arith.addi %rem3A_48, %select_n3A_47 : i32
      %select_n3A_58 = arith.select %and3A_56, %add3A_57, %rem3A_48 : i32
      %mul3A_59 = arith.constant 6288 : i32
      %mul3A_60 = arith.muli %select_n3A_58, %mul3A_59 : i32
      %jit3A_61 = arith.constant 8 : i32
      %eq3A_62 = arith.constant 0 : i32
      %eq3A_63 = arith.cmpi eq, %jit3A_61, %eq3A_62 : i32
      %jit3A_64 = arith.constant 1 : i32
      %select_n3A_65 = arith.select %eq3A_63, %jit3A_64, %jit3A_61 : i32
      %rem3A_66 = arith.remsi %scan3A_23, %select_n3A_65 : i32
      %ne3A_67 = arith.constant 0 : i32
      %ne3A_68 = arith.cmpi ne, %rem3A_66, %ne3A_67 : i32
      %lt3A_69 = arith.constant 0 : i32
      %lt3A_70 = arith.cmpi slt, %rem3A_66, %lt3A_69 : i32
      %lt3A_71 = arith.constant 0 : i32
      %lt3A_72 = arith.cmpi slt, %select_n3A_65, %lt3A_71 : i32
      %ne3A_73 = arith.xori %lt3A_70, %lt3A_72 : i1
      %and3A_74 = arith.andi %ne3A_73, %ne3A_68 : i1
      %add3A_75 = arith.addi %rem3A_66, %select_n3A_65 : i32
      %select_n3A_76 = arith.select %and3A_74, %add3A_75, %rem3A_66 : i32
      %mul3A_77 = arith.constant 588 : i32
      %mul3A_78 = arith.muli %select_n3A_76, %mul3A_77 : i32
      %add3A_79 = arith.constant 192 : i32
      %add3A_80 = arith.addi %mul3A_78, %add3A_79 : i32
      %add3A_81 = vector.broadcast %add3A_80 : i32 to vector<16xi32>
      %add3A_82 = arith.addi %iota3A, %add3A_81 : vector<16xi32>
      %gather3A = tpu.vector_load_idx %arg6[%add3A_82] : memref<4720xi32, #tpu.memory_space<vmem>>[vector<16xi32>], vector<16xi32>,
      %mul3A_83 = arith.constant 32 : i32
      %mul3A_84 = vector.broadcast %mul3A_83 : i32 to vector<16xi32>
      %mul3A_85 = arith.muli %gather3A, %mul3A_84 : vector<16xi32>
      %add3A_86 = arith.constant 196 : i32
      %add3A_87 = arith.addi %mul3A_78, %add3A_86 : i32
      %add3A_88 = arith.constant 192 : i32
      %add3A_89 = arith.addi %add3A_87, %add3A_88 : i32
      %add3A_90 = vector.broadcast %add3A_89 : i32 to vector<16xi32>
      %add3A_91 = arith.addi %iota3A, %add3A_90 : vector<16xi32>
      %gather3A_92 = tpu.vector_load_idx %arg6[%add3A_91] : memref<4720xi32, #tpu.memory_space<vmem>>[vector<16xi32>], vector<16xi32>,
      %add3A_93 = arith.constant 1024 : i32
      %add3A_94 = vector.broadcast %add3A_93 : i32 to vector<16xi32>
      %add3A_95 = arith.addi %gather3A_92, %add3A_94 : vector<16xi32>
      %mul3A_96 = arith.constant 32 : i32
      %mul3A_97 = vector.broadcast %mul3A_96 : i32 to vector<16xi32>
      %mul3A_98 = arith.muli %add3A_95, %mul3A_97 : vector<16xi32>
      %add3A_99 = arith.constant 392 : i32
      %add3A_100 = arith.addi %mul3A_78, %add3A_99 : i32
      %add3A_101 = arith.constant 192 : i32
      %add3A_102 = arith.addi %add3A_100, %add3A_101 : i32
      %add3A_103 = vector.broadcast %add3A_102 : i32 to vector<16xi32>
      %add3A_104 = arith.addi %iota3A, %add3A_103 : vector<16xi32>
      %gather3A_105 = tpu.vector_load_idx %arg6[%add3A_104] : memref<4720xi32, #tpu.memory_space<vmem>>[vector<16xi32>], vector<16xi32>,
      %add3A_106 = arith.constant 2048 : i32
      %add3A_107 = vector.broadcast %add3A_106 : i32 to vector<16xi32>
      %add3A_108 = arith.addi %gather3A_105, %add3A_107 : vector<16xi32>
      %mul3A_109 = arith.constant 32 : i32
      %mul3A_110 = vector.broadcast %mul3A_109 : i32 to vector<16xi32>
      %mul3A_111 = arith.muli %add3A_108, %mul3A_110 : vector<16xi32>
      %add3A_112 = arith.constant 0 : i32
      %add3A_113 = vector.broadcast %add3A_112 : i32 to vector<16xi32>
      %add3A_114 = arith.addi %mul3A_85, %add3A_113 : vector<16xi32>
      %gather3A_115 = tpu.vector_load_idx %arg5[%add3A_114] : memref<98304xf32, #tpu.memory_space<vmem>>[vector<16xi32>], vector<16xf32>,
      %add3A_116 = arith.constant 0 : i32
      %add3A_117 = vector.broadcast %add3A_116 : i32 to vector<16xi32>
      %add3A_118 = arith.addi %mul3A_98, %add3A_117 : vector<16xi32>
      %gather3A_119 = tpu.vector_load_idx %arg5[%add3A_118] : memref<98304xf32, #tpu.memory_space<vmem>>[vector<16xi32>], vector<16xf32>,
      %add3A_120 = arith.addf %gather3A_115, %gather3A_119 : vector<16xf32>
      %add3A_121 = arith.constant 0 : i32
      %add3A_122 = vector.broadcast %add3A_121 : i32 to vector<16xi32>
      %add3A_123 = arith.addi %mul3A_111, %add3A_122 : vector<16xi32>
      %gather3A_124 = tpu.vector_load_idx %arg5[%add3A_123] : memref<98304xf32, #tpu.memory_space<vmem>>[vector<16xi32>], vector<16xf32>,
      %add3A_125 = arith.addf %add3A_120, %gather3A_124 : vector<16xf32>
      %add3A_126 = arith.constant 0 : i32
      %add3A_127 = arith.addi %mul3A_60, %add3A_126 : i32
      %add3A_128 = arith.constant 192 : i32
      %add3A_129 = arith.addi %add3A_127, %add3A_128 : i32
      %add3A_130 = vector.broadcast %add3A_129 : i32 to vector<16xi32>
      %add3A_131 = arith.addi %iota3A, %add3A_130 : vector<16xi32>
      tpu.vector_store_idx %arg7[%add3A_131], %add3A_125 : memref<12576xf32, #tpu.memory_space<vmem>>[vector<16xi32>], vector<16xf32>,
      %add3A_132 = arith.constant 1 : i32
      %add3A_133 = vector.broadcast %add3A_132 : i32 to vector<16xi32>
      %add3A_134 = arith.addi %mul3A_85, %add3A_133 : vector<16xi32>
      %gather3A_135 = tpu.vector_load_idx %arg5[%add3A_134] : memref<98304xf32, #tpu.memory_space<vmem>>[vector<16xi32>], vector<16xf32>,
      %add3A_136 = arith.constant 1 : i32
      %add3A_137 = vector.broadcast %add3A_136 : i32 to vector<16xi32>
      %add3A_138 = arith.addi %mul3A_98, %add3A_137 : vector<16xi32>
      %gather3A_139 = tpu.vector_load_idx %arg5[%add3A_138] : memref<98304xf32, #tpu.memory_space<vmem>>[vector<16xi32>], vector<16xf32>,
      %add3A_140 = arith.addf %gather3A_135, %gather3A_139 : vector<16xf32>
      %add3A_141 = arith.constant 1 : i32
      %add3A_142 = vector.broadcast %add3A_141 : i32 to vector<16xi32>
      %add3A_143 = arith.addi %mul3A_111, %add3A_142 : vector<16xi32>
      %gather3A_144 = tpu.vector_load_idx %arg5[%add3A_143] : memref<98304xf32, #tpu.memory_space<vmem>>[vector<16xi32>], vector<16xf32>,
      %add3A_145 = arith.addf %add3A_140, %gather3A_144 : vector<16xf32>
      %add3A_146 = arith.constant 196 : i32
      %add3A_147 = arith.addi %mul3A_60, %add3A_146 : i32
      %add3A_148 = arith.constant 192 : i32
      %add3A_149 = arith.addi %add3A_147, %add3A_148 : i32
      %add3A_150 = vector.broadcast %add3A_149 : i32 to vector<16xi32>
      %add3A_151 = arith.addi %iota3A, %add3A_150 : vector<16xi32>
      tpu.vector_store_idx %arg7[%add3A_151], %add3A_145 : memref<12576xf32, #tpu.memory_space<vmem>>[vector<16xi32>], vector<16xf32>,
      %add3A_152 = arith.constant 2 : i32
      %add3A_153 = vector.broadcast %add3A_152 : i32 to vector<16xi32>
      %add3A_154 = arith.addi %mul3A_85, %add3A_153 : vector<16xi32>
      %gather3A_155 = tpu.vector_load_idx %arg5[%add3A_154] : memref<98304xf32, #tpu.memory_space<vmem>>[vector<16xi32>], vector<16xf32>,
      %add3A_156 = arith.constant 2 : i32
      %add3A_157 = vector.broadcast %add3A_156 : i32 to vector<16xi32>
      %add3A_158 = arith.addi %mul3A_98, %add3A_157 : vector<16xi32>
      %gather3A_159 = tpu.vector_load_idx %arg5[%add3A_158] : memref<98304xf32, #tpu.memory_space<vmem>>[vector<16xi32>], vector<16xf32>,
      %add3A_160 = arith.addf %gather3A_155, %gather3A_159 : vector<16xf32>
      %add3A_161 = arith.constant 2 : i32
      %add3A_162 = vector.broadcast %add3A_161 : i32 to vector<16xi32>
      %add3A_163 = arith.addi %mul3A_111, %add3A_162 : vector<16xi32>
      %gather3A_164 = tpu.vector_load_idx %arg5[%add3A_163] : memref<98304xf32, #tpu.memory_space<vmem>>[vector<16xi32>], vector<16xf32>,
      %add3A_165 = arith.addf %add3A_160, %gather3A_164 : vector<16xf32>
      %add3A_166 = arith.constant 392 : i32
      %add3A_167 = arith.addi %mul3A_60, %add3A_166 : i32
      %add3A_168 = arith.constant 192 : i32
      %add3A_169 = arith.addi %add3A_167, %add3A_168 : i32
      %add3A_170 = vector.broadcast %add3A_169 : i32 to vector<16xi32>
      %add3A_171 = arith.addi %iota3A, %add3A_170 : vector<16xi32>
      tpu.vector_store_idx %arg7[%add3A_171], %add3A_165 : memref<12576xf32, #tpu.memory_space<vmem>>[vector<16xi32>], vector<16xf32>,
      %add3A_172 = arith.constant 3 : i32
      %add3A_173 = vector.broadcast %add3A_172 : i32 to vector<16xi32>
      %add3A_174 = arith.addi %mul3A_85, %add3A_173 : vector<16xi32>
      %gather3A_175 = tpu.vector_load_idx %arg5[%add3A_174] : memref<98304xf32, #tpu.memory_space<vmem>>[vector<16xi32>], vector<16xf32>,
      %add3A_176 = arith.constant 3 : i32
      %add3A_177 = vector.broadcast %add3A_176 : i32 to vector<16xi32>
      %add3A_178 = arith.addi %mul3A_98, %add3A_177 : vector<16xi32>
      %gather3A_179 = tpu.vector_load_idx %arg5[%add3A_178] : memref<98304xf32, #tpu.memory_space<vmem>>[vector<16xi32>], vector<16xf32>,
      %add3A_180 = arith.addf %gather3A_175, %gather3A_179 : vector<16xf32>
      %add3A_181 = arith.constant 3 : i32
      %add3A_182 = vector.broadcast %add3A_181 : i32 to vector<16xi32>
      %add3A_183 = arith.addi %mul3A_111, %add3A_182 : vector<16xi32>
      %gather3A_184 = tpu.vector_load_idx %arg5[%add3A_183] : memref<98304xf32, #tpu.memory_space<vmem>>[vector<16xi32>], vector<16xf32>,
      %add3A_185 = arith.addf %add3A_180, %gather3A_184 : vector<16xf32>
      %add3A_186 = arith.constant 588 : i32
      %add3A_187 = arith.addi %mul3A_60, %add3A_186 : i32
      %add3A_188 = arith.constant 192 : i32
      %add3A_189 = arith.addi %add3A_187, %add3A_188 : i32
      %add3A_190 = vector.broadcast %add3A_189 : i32 to vector<16xi32>
      %add3A_191 = arith.addi %iota3A, %add3A_190 : vector<16xi32>
      tpu.vector_store_idx %arg7[%add3A_191], %add3A_185 : memref<12576xf32, #tpu.memory_space<vmem>>[vector<16xi32>], vector<16xf32>,
      %add3A_192 = arith.constant 4 : i32
      %add3A_193 = vector.broadcast %add3A_192 : i32 to vector<16xi32>
      %add3A_194 = arith.addi %mul3A_85, %add3A_193 : vector<16xi32>
      %gather3A_195 = tpu.vector_load_idx %arg5[%add3A_194] : memref<98304xf32, #tpu.memory_space<vmem>>[vector<16xi32>], vector<16xf32>,
      %add3A_196 = arith.constant 4 : i32
      %add3A_197 = vector.broadcast %add3A_196 : i32 to vector<16xi32>
      %add3A_198 = arith.addi %mul3A_98, %add3A_197 : vector<16xi32>
      %gather3A_199 = tpu.vector_load_idx %arg5[%add3A_198] : memref<98304xf32, #tpu.memory_space<vmem>>[vector<16xi32>], vector<16xf32>,
      %add3A_200 = arith.addf %gather3A_195, %gather3A_199 : vector<16xf32>
      %add3A_201 = arith.constant 4 : i32
      %add3A_202 = vector.broadcast %add3A_201 : i32 to vector<16xi32>
      %add3A_203 = arith.addi %mul3A_111, %add3A_202 : vector<16xi32>
      %gather3A_204 = tpu.vector_load_idx %arg5[%add3A_203] : memref<98304xf32, #tpu.memory_space<vmem>>[vector<16xi32>], vector<16xf32>,
      %add3A_205 = arith.addf %add3A_200, %gather3A_204 : vector<16xf32>
      %add3A_206 = arith.constant 784 : i32
      %add3A_207 = arith.addi %mul3A_60, %add3A_206 : i32
      %add3A_208 = arith.constant 192 : i32
      %add3A_209 = arith.addi %add3A_207, %add3A_208 : i32
      %add3A_210 = vector.broadcast %add3A_209 : i32 to vector<16xi32>
      %add3A_211 = arith.addi %iota3A, %add3A_210 : vector<16xi32>
      tpu.vector_store_idx %arg7[%add3A_211], %add3A_205 : memref<12576xf32, #tpu.memory_space<vmem>>[vector<16xi32>], vector<16xf32>,
      %add3A_212 = arith.constant 5 : i32
      %add3A_213 = vector.broadcast %add3A_212 : i32 to vector<16xi32>
      %add3A_214 = arith.addi %mul3A_85, %add3A_213 : vector<16xi32>
      %gather3A_215 = tpu.vector_load_idx %arg5[%add3A_214] : memref<98304xf32, #tpu.memory_space<vmem>>[vector<16xi32>], vector<16xf32>,
      %add3A_216 = arith.constant 5 : i32
      %add3A_217 = vector.broadcast %add3A_216 : i32 to vector<16xi32>
      %add3A_218 = arith.addi %mul3A_98, %add3A_217 : vector<16xi32>
      %gather3A_219 = tpu.vector_load_idx %arg5[%add3A_218] : memref<98304xf32, #tpu.memory_space<vmem>>[vector<16xi32>], vector<16xf32>,
      %add3A_220 = arith.addf %gather3A_215, %gather3A_219 : vector<16xf32>
      %add3A_221 = arith.constant 5 : i32
      %add3A_222 = vector.broadcast %add3A_221 : i32 to vector<16xi32>
      %add3A_223 = arith.addi %mul3A_111, %add3A_222 : vector<16xi32>
      %gather3A_224 = tpu.vector_load_idx %arg5[%add3A_223] : memref<98304xf32, #tpu.memory_space<vmem>>[vector<16xi32>], vector<16xf32>,
      %add3A_225 = arith.addf %add3A_220, %gather3A_224 : vector<16xf32>
      %add3A_226 = arith.constant 980 : i32
      %add3A_227 = arith.addi %mul3A_60, %add3A_226 : i32
      %add3A_228 = arith.constant 192 : i32
      %add3A_229 = arith.addi %add3A_227, %add3A_228 : i32
      %add3A_230 = vector.broadcast %add3A_229 : i32 to vector<16xi32>
      %add3A_231 = arith.addi %iota3A, %add3A_230 : vector<16xi32>
      tpu.vector_store_idx %arg7[%add3A_231], %add3A_225 : memref<12576xf32, #tpu.memory_space<vmem>>[vector<16xi32>], vector<16xf32>,
      %add3A_232 = arith.constant 6 : i32
      %add3A_233 = vector.broadcast %add3A_232 : i32 to vector<16xi32>
      %add3A_234 = arith.addi %mul3A_85, %add3A_233 : vector<16xi32>
      %gather3A_235 = tpu.vector_load_idx %arg5[%add3A_234] : memref<98304xf32, #tpu.memory_space<vmem>>[vector<16xi32>], vector<16xf32>,
      %add3A_236 = arith.constant 6 : i32
      %add3A_237 = vector.broadcast %add3A_236 : i32 to vector<16xi32>
      %add3A_238 = arith.addi %mul3A_98, %add3A_237 : vector<16xi32>
      %gather3A_239 = tpu.vector_load_idx %arg5[%add3A_238] : memref<98304xf32, #tpu.memory_space<vmem>>[vector<16xi32>], vector<16xf32>,
      %add3A_240 = arith.addf %gather3A_235, %gather3A_239 : vector<16xf32>
      %add3A_241 = arith.constant 6 : i32
      %add3A_242 = vector.broadcast %add3A_241 : i32 to vector<16xi32>
      %add3A_243 = arith.addi %mul3A_111, %add3A_242 : vector<16xi32>
      %gather3A_244 = tpu.vector_load_idx %arg5[%add3A_243] : memref<98304xf32, #tpu.memory_space<vmem>>[vector<16xi32>], vector<16xf32>,
      %add3A_245 = arith.addf %add3A_240, %gather3A_244 : vector<16xf32>
      %add3A_246 = arith.constant 1176 : i32
      %add3A_247 = arith.addi %mul3A_60, %add3A_246 : i32
      %add3A_248 = arith.constant 192 : i32
      %add3A_249 = arith.addi %add3A_247, %add3A_248 : i32
      %add3A_250 = vector.broadcast %add3A_249 : i32 to vector<16xi32>
      %add3A_251 = arith.addi %iota3A, %add3A_250 : vector<16xi32>
      tpu.vector_store_idx %arg7[%add3A_251], %add3A_245 : memref<12576xf32, #tpu.memory_space<vmem>>[vector<16xi32>], vector<16xf32>,
      %add3A_252 = arith.constant 7 : i32
      %add3A_253 = vector.broadcast %add3A_252 : i32 to vector<16xi32>
      %add3A_254 = arith.addi %mul3A_85, %add3A_253 : vector<16xi32>
      %gather3A_255 = tpu.vector_load_idx %arg5[%add3A_254] : memref<98304xf32, #tpu.memory_space<vmem>>[vector<16xi32>], vector<16xf32>,
      %add3A_256 = arith.constant 7 : i32
      %add3A_257 = vector.broadcast %add3A_256 : i32 to vector<16xi32>
      %add3A_258 = arith.addi %mul3A_98, %add3A_257 : vector<16xi32>
      %gather3A_259 = tpu.vector_load_idx %arg5[%add3A_258] : memref<98304xf32, #tpu.memory_space<vmem>>[vector<16xi32>], vector<16xf32>,
      %add3A_260 = arith.addf %gather3A_255, %gather3A_259 : vector<16xf32>
      %add3A_261 = arith.constant 7 : i32
      %add3A_262 = vector.broadcast %add3A_261 : i32 to vector<16xi32>
      %add3A_263 = arith.addi %mul3A_111, %add3A_262 : vector<16xi32>
      %gather3A_264 = tpu.vector_load_idx %arg5[%add3A_263] : memref<98304xf32, #tpu.memory_space<vmem>>[vector<16xi32>], vector<16xf32>,
      %add3A_265 = arith.addf %add3A_260, %gather3A_264 : vector<16xf32>
      %add3A_266 = arith.constant 1372 : i32
      %add3A_267 = arith.addi %mul3A_60, %add3A_266 : i32
      %add3A_268 = arith.constant 192 : i32
      %add3A_269 = arith.addi %add3A_267, %add3A_268 : i32
      %add3A_270 = vector.broadcast %add3A_269 : i32 to vector<16xi32>
      %add3A_271 = arith.addi %iota3A, %add3A_270 : vector<16xi32>
      tpu.vector_store_idx %arg7[%add3A_271], %add3A_265 : memref<12576xf32, #tpu.memory_space<vmem>>[vector<16xi32>], vector<16xf32>,
      %add3A_272 = arith.constant 8 : i32
      %add3A_273 = vector.broadcast %add3A_272 : i32 to vector<16xi32>
      %add3A_274 = arith.addi %mul3A_85, %add3A_273 : vector<16xi32>
      %gather3A_275 = tpu.vector_load_idx %arg5[%add3A_274] : memref<98304xf32, #tpu.memory_space<vmem>>[vector<16xi32>], vector<16xf32>,
      %add3A_276 = arith.constant 8 : i32
      %add3A_277 = vector.broadcast %add3A_276 : i32 to vector<16xi32>
      %add3A_278 = arith.addi %mul3A_98, %add3A_277 : vector<16xi32>
      %gather3A_279 = tpu.vector_load_idx %arg5[%add3A_278] : memref<98304xf32, #tpu.memory_space<vmem>>[vector<16xi32>], vector<16xf32>,
      %add3A_280 = arith.addf %gather3A_275, %gather3A_279 : vector<16xf32>
      %add3A_281 = arith.constant 8 : i32
      %add3A_282 = vector.broadcast %add3A_281 : i32 to vector<16xi32>
      %add3A_283 = arith.addi %mul3A_111, %add3A_282 : vector<16xi32>
      %gather3A_284 = tpu.vector_load_idx %arg5[%add3A_283] : memref<98304xf32, #tpu.memory_space<vmem>>[vector<16xi32>], vector<16xf32>,
      %add3A_285 = arith.addf %add3A_280, %gather3A_284 : vector<16xf32>
      %add3A_286 = arith.constant 1568 : i32
      %add3A_287 = arith.addi %mul3A_60, %add3A_286 : i32
      %add3A_288 = arith.constant 192 : i32
      %add3A_289 = arith.addi %add3A_287, %add3A_288 : i32
      %add3A_290 = vector.broadcast %add3A_289 : i32 to vector<16xi32>
      %add3A_291 = arith.addi %iota3A, %add3A_290 : vector<16xi32>
      tpu.vector_store_idx %arg7[%add3A_291], %add3A_285 : memref<12576xf32, #tpu.memory_space<vmem>>[vector<16xi32>], vector<16xf32>,
      %add3A_292 = arith.constant 9 : i32
      %add3A_293 = vector.broadcast %add3A_292 : i32 to vector<16xi32>
      %add3A_294 = arith.addi %mul3A_85, %add3A_293 : vector<16xi32>
      %gather3A_295 = tpu.vector_load_idx %arg5[%add3A_294] : memref<98304xf32, #tpu.memory_space<vmem>>[vector<16xi32>], vector<16xf32>,
      %add3A_296 = arith.constant 9 : i32
      %add3A_297 = vector.broadcast %add3A_296 : i32 to vector<16xi32>
      %add3A_298 = arith.addi %mul3A_98, %add3A_297 : vector<16xi32>
      %gather3A_299 = tpu.vector_load_idx %arg5[%add3A_298] : memref<98304xf32, #tpu.memory_space<vmem>>[vector<16xi32>], vector<16xf32>,
      %add3A_300 = arith.addf %gather3A_295, %gather3A_299 : vector<16xf32>
      %add3A_301 = arith.constant 9 : i32
      %add3A_302 = vector.broadcast %add3A_301 : i32 to vector<16xi32>
      %add3A_303 = arith.addi %mul3A_111, %add3A_302 : vector<16xi32>
      %gather3A_304 = tpu.vector_load_idx %arg5[%add3A_303] : memref<98304xf32, #tpu.memory_space<vmem>>[vector<16xi32>], vector<16xf32>,
      %add3A_305 = arith.addf %add3A_300, %gather3A_304 : vector<16xf32>
      %add3A_306 = arith.constant 1764 : i32
      %add3A_307 = arith.addi %mul3A_60, %add3A_306 : i32
      %add3A_308 = arith.constant 192 : i32
      %add3A_309 = arith.addi %add3A_307, %add3A_308 : i32
      %add3A_310 = vector.broadcast %add3A_309 : i32 to vector<16xi32>
      %add3A_311 = arith.addi %iota3A, %add3A_310 : vector<16xi32>
      tpu.vector_store_idx %arg7[%add3A_311], %add3A_305 : memref<12576xf32, #tpu.memory_space<vmem>>[vector<16xi32>], vector<16xf32>,
      %add3A_312 = arith.constant 10 : i32
      %add3A_313 = vector.broadcast %add3A_312 : i32 to vector<16xi32>
      %add3A_314 = arith.addi %mul3A_85, %add3A_313 : vector<16xi32>
      %gather3A_315 = tpu.vector_load_idx %arg5[%add3A_314] : memref<98304xf32, #tpu.memory_space<vmem>>[vector<16xi32>], vector<16xf32>,
      %add3A_316 = arith.constant 10 : i32
      %add3A_317 = vector.broadcast %add3A_316 : i32 to vector<16xi32>
      %add3A_318 = arith.addi %mul3A_98, %add3A_317 : vector<16xi32>
      %gather3A_319 = tpu.vector_load_idx %arg5[%add3A_318] : memref<98304xf32, #tpu.memory_space<vmem>>[vector<16xi32>], vector<16xf32>,
      %add3A_320 = arith.addf %gather3A_315, %gather3A_319 : vector<16xf32>
      %add3A_321 = arith.constant 10 : i32
      %add3A_322 = vector.broadcast %add3A_321 : i32 to vector<16xi32>
      %add3A_323 = arith.addi %mul3A_111, %add3A_322 : vector<16xi32>
      %gather3A_324 = tpu.vector_load_idx %arg5[%add3A_323] : memref<98304xf32, #tpu.memory_space<vmem>>[vector<16xi32>], vector<16xf32>,
      %add3A_325 = arith.addf %add3A_320, %gather3A_324 : vector<16xf32>
      %add3A_326 = arith.constant 1960 : i32
      %add3A_327 = arith.addi %mul3A_60, %add3A_326 : i32
      %add3A_328 = arith.constant 192 : i32
      %add3A_329 = arith.addi %add3A_327, %add3A_328 : i32
      %add3A_330 = vector.broadcast %add3A_329 : i32 to vector<16xi32>
      %add3A_331 = arith.addi %iota3A, %add3A_330 : vector<16xi32>
      tpu.vector_store_idx %arg7[%add3A_331], %add3A_325 : memref<12576xf32, #tpu.memory_space<vmem>>[vector<16xi32>], vector<16xf32>,
      %add3A_332 = arith.constant 11 : i32
      %add3A_333 = vector.broadcast %add3A_332 : i32 to vector<16xi32>
      %add3A_334 = arith.addi %mul3A_85, %add3A_333 : vector<16xi32>
      %gather3A_335 = tpu.vector_load_idx %arg5[%add3A_334] : memref<98304xf32, #tpu.memory_space<vmem>>[vector<16xi32>], vector<16xf32>,
      %add3A_336 = arith.constant 11 : i32
      %add3A_337 = vector.broadcast %add3A_336 : i32 to vector<16xi32>
      %add3A_338 = arith.addi %mul3A_98, %add3A_337 : vector<16xi32>
      %gather3A_339 = tpu.vector_load_idx %arg5[%add3A_338] : memref<98304xf32, #tpu.memory_space<vmem>>[vector<16xi32>], vector<16xf32>,
      %add3A_340 = arith.addf %gather3A_335, %gather3A_339 : vector<16xf32>
      %add3A_341 = arith.constant 11 : i32
      %add3A_342 = vector.broadcast %add3A_341 : i32 to vector<16xi32>
      %add3A_343 = arith.addi %mul3A_111, %add3A_342 : vector<16xi32>
      %gather3A_344 = tpu.vector_load_idx %arg5[%add3A_343] : memref<98304xf32, #tpu.memory_space<vmem>>[vector<16xi32>], vector<16xf32>,
      %add3A_345 = arith.addf %add3A_340, %gather3A_344 : vector<16xf32>
      %add3A_346 = arith.constant 2156 : i32
      %add3A_347 = arith.addi %mul3A_60, %add3A_346 : i32
      %add3A_348 = arith.constant 192 : i32
      %add3A_349 = arith.addi %add3A_347, %add3A_348 : i32
      %add3A_350 = vector.broadcast %add3A_349 : i32 to vector<16xi32>
      %add3A_351 = arith.addi %iota3A, %add3A_350 : vector<16xi32>
      tpu.vector_store_idx %arg7[%add3A_351], %add3A_345 : memref<12576xf32, #tpu.memory_space<vmem>>[vector<16xi32>], vector<16xf32>,
      %add3A_352 = arith.constant 12 : i32
      %add3A_353 = vector.broadcast %add3A_352 : i32 to vector<16xi32>
      %add3A_354 = arith.addi %mul3A_85, %add3A_353 : vector<16xi32>
      %gather3A_355 = tpu.vector_load_idx %arg5[%add3A_354] : memref<98304xf32, #tpu.memory_space<vmem>>[vector<16xi32>], vector<16xf32>,
      %add3A_356 = arith.constant 12 : i32
      %add3A_357 = vector.broadcast %add3A_356 : i32 to vector<16xi32>
      %add3A_358 = arith.addi %mul3A_98, %add3A_357 : vector<16xi32>
      %gather3A_359 = tpu.vector_load_idx %arg5[%add3A_358] : memref<98304xf32, #tpu.memory_space<vmem>>[vector<16xi32>], vector<16xf32>,
      %add3A_360 = arith.addf %gather3A_355, %gather3A_359 : vector<16xf32>
      %add3A_361 = arith.constant 12 : i32
      %add3A_362 = vector.broadcast %add3A_361 : i32 to vector<16xi32>
      %add3A_363 = arith.addi %mul3A_111, %add3A_362 : vector<16xi32>
      %gather3A_364 = tpu.vector_load_idx %arg5[%add3A_363] : memref<98304xf32, #tpu.memory_space<vmem>>[vector<16xi32>], vector<16xf32>,
      %add3A_365 = arith.addf %add3A_360, %gather3A_364 : vector<16xf32>
      %add3A_366 = arith.constant 2352 : i32
      %add3A_367 = arith.addi %mul3A_60, %add3A_366 : i32
      %add3A_368 = arith.constant 192 : i32
      %add3A_369 = arith.addi %add3A_367, %add3A_368 : i32
      %add3A_370 = vector.broadcast %add3A_369 : i32 to vector<16xi32>
      %add3A_371 = arith.addi %iota3A, %add3A_370 : vector<16xi32>
      tpu.vector_store_idx %arg7[%add3A_371], %add3A_365 : memref<12576xf32, #tpu.memory_space<vmem>>[vector<16xi32>], vector<16xf32>,
      %add3A_372 = arith.constant 13 : i32
      %add3A_373 = vector.broadcast %add3A_372 : i32 to vector<16xi32>
      %add3A_374 = arith.addi %mul3A_85, %add3A_373 : vector<16xi32>
      %gather3A_375 = tpu.vector_load_idx %arg5[%add3A_374] : memref<98304xf32, #tpu.memory_space<vmem>>[vector<16xi32>], vector<16xf32>,
      %add3A_376 = arith.constant 13 : i32
      %add3A_377 = vector.broadcast %add3A_376 : i32 to vector<16xi32>
      %add3A_378 = arith.addi %mul3A_98, %add3A_377 : vector<16xi32>
      %gather3A_379 = tpu.vector_load_idx %arg5[%add3A_378] : memref<98304xf32, #tpu.memory_space<vmem>>[vector<16xi32>], vector<16xf32>,
      %add3A_380 = arith.addf %gather3A_375, %gather3A_379 : vector<16xf32>
      %add3A_381 = arith.constant 13 : i32
      %add3A_382 = vector.broadcast %add3A_381 : i32 to vector<16xi32>
      %add3A_383 = arith.addi %mul3A_111, %add3A_382 : vector<16xi32>
      %gather3A_384 = tpu.vector_load_idx %arg5[%add3A_383] : memref<98304xf32, #tpu.memory_space<vmem>>[vector<16xi32>], vector<16xf32>,
      %add3A_385 = arith.addf %add3A_380, %gather3A_384 : vector<16xf32>
      %add3A_386 = arith.constant 2548 : i32
      %add3A_387 = arith.addi %mul3A_60, %add3A_386 : i32
      %add3A_388 = arith.constant 192 : i32
      %add3A_389 = arith.addi %add3A_387, %add3A_388 : i32
      %add3A_390 = vector.broadcast %add3A_389 : i32 to vector<16xi32>
      %add3A_391 = arith.addi %iota3A, %add3A_390 : vector<16xi32>
      tpu.vector_store_idx %arg7[%add3A_391], %add3A_385 : memref<12576xf32, #tpu.memory_space<vmem>>[vector<16xi32>], vector<16xf32>,
      %add3A_392 = arith.constant 14 : i32
      %add3A_393 = vector.broadcast %add3A_392 : i32 to vector<16xi32>
      %add3A_394 = arith.addi %mul3A_85, %add3A_393 : vector<16xi32>
      %gather3A_395 = tpu.vector_load_idx %arg5[%add3A_394] : memref<98304xf32, #tpu.memory_space<vmem>>[vector<16xi32>], vector<16xf32>,
      %add3A_396 = arith.constant 14 : i32
      %add3A_397 = vector.broadcast %add3A_396 : i32 to vector<16xi32>
      %add3A_398 = arith.addi %mul3A_98, %add3A_397 : vector<16xi32>
      %gather3A_399 = tpu.vector_load_idx %arg5[%add3A_398] : memref<98304xf32, #tpu.memory_space<vmem>>[vector<16xi32>], vector<16xf32>,
      %add3A_400 = arith.addf %gather3A_395, %gather3A_399 : vector<16xf32>
      %add3A_401 = arith.constant 14 : i32
      %add3A_402 = vector.broadcast %add3A_401 : i32 to vector<16xi32>
      %add3A_403 = arith.addi %mul3A_111, %add3A_402 : vector<16xi32>
      %gather3A_404 = tpu.vector_load_idx %arg5[%add3A_403] : memref<98304xf32, #tpu.memory_space<vmem>>[vector<16xi32>], vector<16xf32>,
      %add3A_405 = arith.addf %add3A_400, %gather3A_404 : vector<16xf32>
      %add3A_406 = arith.constant 2744 : i32
      %add3A_407 = arith.addi %mul3A_60, %add3A_406 : i32
      %add3A_408 = arith.constant 192 : i32
      %add3A_409 = arith.addi %add3A_407, %add3A_408 : i32
      %add3A_410 = vector.broadcast %add3A_409 : i32 to vector<16xi32>
      %add3A_411 = arith.addi %iota3A, %add3A_410 : vector<16xi32>
      tpu.vector_store_idx %arg7[%add3A_411], %add3A_405 : memref<12576xf32, #tpu.memory_space<vmem>>[vector<16xi32>], vector<16xf32>,
      %add3A_412 = arith.constant 15 : i32
      %add3A_413 = vector.broadcast %add3A_412 : i32 to vector<16xi32>
      %add3A_414 = arith.addi %mul3A_85, %add3A_413 : vector<16xi32>
      %gather3A_415 = tpu.vector_load_idx %arg5[%add3A_414] : memref<98304xf32, #tpu.memory_space<vmem>>[vector<16xi32>], vector<16xf32>,
      %add3A_416 = arith.constant 15 : i32
      %add3A_417 = vector.broadcast %add3A_416 : i32 to vector<16xi32>
      %add3A_418 = arith.addi %mul3A_98, %add3A_417 : vector<16xi32>
      %gather3A_419 = tpu.vector_load_idx %arg5[%add3A_418] : memref<98304xf32, #tpu.memory_space<vmem>>[vector<16xi32>], vector<16xf32>,
      %add3A_420 = arith.addf %gather3A_415, %gather3A_419 : vector<16xf32>
      %add3A_421 = arith.constant 15 : i32
      %add3A_422 = vector.broadcast %add3A_421 : i32 to vector<16xi32>
      %add3A_423 = arith.addi %mul3A_111, %add3A_422 : vector<16xi32>
      %gather3A_424 = tpu.vector_load_idx %arg5[%add3A_423] : memref<98304xf32, #tpu.memory_space<vmem>>[vector<16xi32>], vector<16xf32>,
      %add3A_425 = arith.addf %add3A_420, %gather3A_424 : vector<16xf32>
      %add3A_426 = arith.constant 2940 : i32
      %add3A_427 = arith.addi %mul3A_60, %add3A_426 : i32
      %add3A_428 = arith.constant 192 : i32
      %add3A_429 = arith.addi %add3A_427, %add3A_428 : i32
      %add3A_430 = vector.broadcast %add3A_429 : i32 to vector<16xi32>
      %add3A_431 = arith.addi %iota3A, %add3A_430 : vector<16xi32>
      tpu.vector_store_idx %arg7[%add3A_431], %add3A_425 : memref<12576xf32, #tpu.memory_space<vmem>>[vector<16xi32>], vector<16xf32>,
      %add3A_432 = arith.constant 16 : i32
      %add3A_433 = vector.broadcast %add3A_432 : i32 to vector<16xi32>
      %add3A_434 = arith.addi %mul3A_85, %add3A_433 : vector<16xi32>
      %gather3A_435 = tpu.vector_load_idx %arg5[%add3A_434] : memref<98304xf32, #tpu.memory_space<vmem>>[vector<16xi32>], vector<16xf32>,
      %add3A_436 = arith.constant 16 : i32
      %add3A_437 = vector.broadcast %add3A_436 : i32 to vector<16xi32>
      %add3A_438 = arith.addi %mul3A_98, %add3A_437 : vector<16xi32>
      %gather3A_439 = tpu.vector_load_idx %arg5[%add3A_438] : memref<98304xf32, #tpu.memory_space<vmem>>[vector<16xi32>], vector<16xf32>,
      %add3A_440 = arith.addf %gather3A_435, %gather3A_439 : vector<16xf32>
      %add3A_441 = arith.constant 16 : i32
      %add3A_442 = vector.broadcast %add3A_441 : i32 to vector<16xi32>
      %add3A_443 = arith.addi %mul3A_111, %add3A_442 : vector<16xi32>
      %gather3A_444 = tpu.vector_load_idx %arg5[%add3A_443] : memref<98304xf32, #tpu.memory_space<vmem>>[vector<16xi32>], vector<16xf32>,
      %add3A_445 = arith.addf %add3A_440, %gather3A_444 : vector<16xf32>
      %add3A_446 = arith.constant 3136 : i32
      %add3A_447 = arith.addi %mul3A_60, %add3A_446 : i32
      %add3A_448 = arith.constant 192 : i32
      %add3A_449 = arith.addi %add3A_447, %add3A_448 : i32
      %add3A_450 = vector.broadcast %add3A_449 : i32 to vector<16xi32>
      %add3A_451 = arith.addi %iota3A, %add3A_450 : vector<16xi32>
      tpu.vector_store_idx %arg7[%add3A_451], %add3A_445 : memref<12576xf32, #tpu.memory_space<vmem>>[vector<16xi32>], vector<16xf32>,
      %add3A_452 = arith.constant 17 : i32
      %add3A_453 = vector.broadcast %add3A_452 : i32 to vector<16xi32>
      %add3A_454 = arith.addi %mul3A_85, %add3A_453 : vector<16xi32>
      %gather3A_455 = tpu.vector_load_idx %arg5[%add3A_454] : memref<98304xf32, #tpu.memory_space<vmem>>[vector<16xi32>], vector<16xf32>,
      %add3A_456 = arith.constant 17 : i32
      %add3A_457 = vector.broadcast %add3A_456 : i32 to vector<16xi32>
      %add3A_458 = arith.addi %mul3A_98, %add3A_457 : vector<16xi32>
      %gather3A_459 = tpu.vector_load_idx %arg5[%add3A_458] : memref<98304xf32, #tpu.memory_space<vmem>>[vector<16xi32>], vector<16xf32>,
      %add3A_460 = arith.addf %gather3A_455, %gather3A_459 : vector<16xf32>
      %add3A_461 = arith.constant 17 : i32
      %add3A_462 = vector.broadcast %add3A_461 : i32 to vector<16xi32>
      %add3A_463 = arith.addi %mul3A_111, %add3A_462 : vector<16xi32>
      %gather3A_464 = tpu.vector_load_idx %arg5[%add3A_463] : memref<98304xf32, #tpu.memory_space<vmem>>[vector<16xi32>], vector<16xf32>,
      %add3A_465 = arith.addf %add3A_460, %gather3A_464 : vector<16xf32>
      %add3A_466 = arith.constant 3332 : i32
      %add3A_467 = arith.addi %mul3A_60, %add3A_466 : i32
      %add3A_468 = arith.constant 192 : i32
      %add3A_469 = arith.addi %add3A_467, %add3A_468 : i32
      %add3A_470 = vector.broadcast %add3A_469 : i32 to vector<16xi32>
      %add3A_471 = arith.addi %iota3A, %add3A_470 : vector<16xi32>
      tpu.vector_store_idx %arg7[%add3A_471], %add3A_465 : memref<12576xf32, #tpu.memory_space<vmem>>[vector<16xi32>], vector<16xf32>,
      %add3A_472 = arith.constant 18 : i32
      %add3A_473 = vector.broadcast %add3A_472 : i32 to vector<16xi32>
      %add3A_474 = arith.addi %mul3A_85, %add3A_473 : vector<16xi32>
      %gather3A_475 = tpu.vector_load_idx %arg5[%add3A_474] : memref<98304xf32, #tpu.memory_space<vmem>>[vector<16xi32>], vector<16xf32>,
      %add3A_476 = arith.constant 18 : i32
      %add3A_477 = vector.broadcast %add3A_476 : i32 to vector<16xi32>
      %add3A_478 = arith.addi %mul3A_98, %add3A_477 : vector<16xi32>
      %gather3A_479 = tpu.vector_load_idx %arg5[%add3A_478] : memref<98304xf32, #tpu.memory_space<vmem>>[vector<16xi32>], vector<16xf32>,
      %add3A_480 = arith.addf %gather3A_475, %gather3A_479 : vector<16xf32>
      %add3A_481 = arith.constant 18 : i32
      %add3A_482 = vector.broadcast %add3A_481 : i32 to vector<16xi32>
      %add3A_483 = arith.addi %mul3A_111, %add3A_482 : vector<16xi32>
      %gather3A_484 = tpu.vector_load_idx %arg5[%add3A_483] : memref<98304xf32, #tpu.memory_space<vmem>>[vector<16xi32>], vector<16xf32>,
      %add3A_485 = arith.addf %add3A_480, %gather3A_484 : vector<16xf32>
      %add3A_486 = arith.constant 3528 : i32
      %add3A_487 = arith.addi %mul3A_60, %add3A_486 : i32
      %add3A_488 = arith.constant 192 : i32
      %add3A_489 = arith.addi %add3A_487, %add3A_488 : i32
      %add3A_490 = vector.broadcast %add3A_489 : i32 to vector<16xi32>
      %add3A_491 = arith.addi %iota3A, %add3A_490 : vector<16xi32>
      tpu.vector_store_idx %arg7[%add3A_491], %add3A_485 : memref<12576xf32, #tpu.memory_space<vmem>>[vector<16xi32>], vector<16xf32>,
      %add3A_492 = arith.constant 19 : i32
      %add3A_493 = vector.broadcast %add3A_492 : i32 to vector<16xi32>
      %add3A_494 = arith.addi %mul3A_85, %add3A_493 : vector<16xi32>
      %gather3A_495 = tpu.vector_load_idx %arg5[%add3A_494] : memref<98304xf32, #tpu.memory_space<vmem>>[vector<16xi32>], vector<16xf32>,
      %add3A_496 = arith.constant 19 : i32
      %add3A_497 = vector.broadcast %add3A_496 : i32 to vector<16xi32>
      %add3A_498 = arith.addi %mul3A_98, %add3A_497 : vector<16xi32>
      %gather3A_499 = tpu.vector_load_idx %arg5[%add3A_498] : memref<98304xf32, #tpu.memory_space<vmem>>[vector<16xi32>], vector<16xf32>,
      %add3A_500 = arith.addf %gather3A_495, %gather3A_499 : vector<16xf32>
      %add3A_501 = arith.constant 19 : i32
      %add3A_502 = vector.broadcast %add3A_501 : i32 to vector<16xi32>
      %add3A_503 = arith.addi %mul3A_111, %add3A_502 : vector<16xi32>
      %gather3A_504 = tpu.vector_load_idx %arg5[%add3A_503] : memref<98304xf32, #tpu.memory_space<vmem>>[vector<16xi32>], vector<16xf32>,
      %add3A_505 = arith.addf %add3A_500, %gather3A_504 : vector<16xf32>
      %add3A_506 = arith.constant 3724 : i32
      %add3A_507 = arith.addi %mul3A_60, %add3A_506 : i32
      %add3A_508 = arith.constant 192 : i32
      %add3A_509 = arith.addi %add3A_507, %add3A_508 : i32
      %add3A_510 = vector.broadcast %add3A_509 : i32 to vector<16xi32>
      %add3A_511 = arith.addi %iota3A, %add3A_510 : vector<16xi32>
      tpu.vector_store_idx %arg7[%add3A_511], %add3A_505 : memref<12576xf32, #tpu.memory_space<vmem>>[vector<16xi32>], vector<16xf32>,
      %add3A_512 = arith.constant 20 : i32
      %add3A_513 = vector.broadcast %add3A_512 : i32 to vector<16xi32>
      %add3A_514 = arith.addi %mul3A_85, %add3A_513 : vector<16xi32>
      %gather3A_515 = tpu.vector_load_idx %arg5[%add3A_514] : memref<98304xf32, #tpu.memory_space<vmem>>[vector<16xi32>], vector<16xf32>,
      %add3A_516 = arith.constant 20 : i32
      %add3A_517 = vector.broadcast %add3A_516 : i32 to vector<16xi32>
      %add3A_518 = arith.addi %mul3A_98, %add3A_517 : vector<16xi32>
      %gather3A_519 = tpu.vector_load_idx %arg5[%add3A_518] : memref<98304xf32, #tpu.memory_space<vmem>>[vector<16xi32>], vector<16xf32>,
      %add3A_520 = arith.addf %gather3A_515, %gather3A_519 : vector<16xf32>
      %add3A_521 = arith.constant 20 : i32
      %add3A_522 = vector.broadcast %add3A_521 : i32 to vector<16xi32>
      %add3A_523 = arith.addi %mul3A_111, %add3A_522 : vector<16xi32>
      %gather3A_524 = tpu.vector_load_idx %arg5[%add3A_523] : memref<98304xf32, #tpu.memory_space<vmem>>[vector<16xi32>], vector<16xf32>,
      %add3A_525 = arith.addf %add3A_520, %gather3A_524 : vector<16xf32>
      %add3A_526 = arith.constant 3920 : i32
      %add3A_527 = arith.addi %mul3A_60, %add3A_526 : i32
      %add3A_528 = arith.constant 192 : i32
      %add3A_529 = arith.addi %add3A_527, %add3A_528 : i32
      %add3A_530 = vector.broadcast %add3A_529 : i32 to vector<16xi32>
      %add3A_531 = arith.addi %iota3A, %add3A_530 : vector<16xi32>
      tpu.vector_store_idx %arg7[%add3A_531], %add3A_525 : memref<12576xf32, #tpu.memory_space<vmem>>[vector<16xi32>], vector<16xf32>,
      %add3A_532 = arith.constant 21 : i32
      %add3A_533 = vector.broadcast %add3A_532 : i32 to vector<16xi32>
      %add3A_534 = arith.addi %mul3A_85, %add3A_533 : vector<16xi32>
      %gather3A_535 = tpu.vector_load_idx %arg5[%add3A_534] : memref<98304xf32, #tpu.memory_space<vmem>>[vector<16xi32>], vector<16xf32>,
      %add3A_536 = arith.constant 21 : i32
      %add3A_537 = vector.broadcast %add3A_536 : i32 to vector<16xi32>
      %add3A_538 = arith.addi %mul3A_98, %add3A_537 : vector<16xi32>
      %gather3A_539 = tpu.vector_load_idx %arg5[%add3A_538] : memref<98304xf32, #tpu.memory_space<vmem>>[vector<16xi32>], vector<16xf32>,
      %add3A_540 = arith.addf %gather3A_535, %gather3A_539 : vector<16xf32>
      %add3A_541 = arith.constant 21 : i32
      %add3A_542 = vector.broadcast %add3A_541 : i32 to vector<16xi32>
      %add3A_543 = arith.addi %mul3A_111, %add3A_542 : vector<16xi32>
      %gather3A_544 = tpu.vector_load_idx %arg5[%add3A_543] : memref<98304xf32, #tpu.memory_space<vmem>>[vector<16xi32>], vector<16xf32>,
      %add3A_545 = arith.addf %add3A_540, %gather3A_544 : vector<16xf32>
      %add3A_546 = arith.constant 4116 : i32
      %add3A_547 = arith.addi %mul3A_60, %add3A_546 : i32
      %add3A_548 = arith.constant 192 : i32
      %add3A_549 = arith.addi %add3A_547, %add3A_548 : i32
      %add3A_550 = vector.broadcast %add3A_549 : i32 to vector<16xi32>
      %add3A_551 = arith.addi %iota3A, %add3A_550 : vector<16xi32>
      tpu.vector_store_idx %arg7[%add3A_551], %add3A_545 : memref<12576xf32, #tpu.memory_space<vmem>>[vector<16xi32>], vector<16xf32>,
      %add3A_552 = arith.constant 22 : i32
      %add3A_553 = vector.broadcast %add3A_552 : i32 to vector<16xi32>
      %add3A_554 = arith.addi %mul3A_85, %add3A_553 : vector<16xi32>
      %gather3A_555 = tpu.vector_load_idx %arg5[%add3A_554] : memref<98304xf32, #tpu.memory_space<vmem>>[vector<16xi32>], vector<16xf32>,
      %add3A_556 = arith.constant 22 : i32
      %add3A_557 = vector.broadcast %add3A_556 : i32 to vector<16xi32>
      %add3A_558 = arith.addi %mul3A_98, %add3A_557 : vector<16xi32>
      %gather3A_559 = tpu.vector_load_idx %arg5[%add3A_558] : memref<98304xf32, #tpu.memory_space<vmem>>[vector<16xi32>], vector<16xf32>,
      %add3A_560 = arith.addf %gather3A_555, %gather3A_559 : vector<16xf32>
      %add3A_561 = arith.constant 22 : i32
      %add3A_562 = vector.broadcast %add3A_561 : i32 to vector<16xi32>
      %add3A_563 = arith.addi %mul3A_111, %add3A_562 : vector<16xi32>
      %gather3A_564 = tpu.vector_load_idx %arg5[%add3A_563] : memref<98304xf32, #tpu.memory_space<vmem>>[vector<16xi32>], vector<16xf32>,
      %add3A_565 = arith.addf %add3A_560, %gather3A_564 : vector<16xf32>
      %add3A_566 = arith.constant 4312 : i32
      %add3A_567 = arith.addi %mul3A_60, %add3A_566 : i32
      %add3A_568 = arith.constant 192 : i32
      %add3A_569 = arith.addi %add3A_567, %add3A_568 : i32
      %add3A_570 = vector.broadcast %add3A_569 : i32 to vector<16xi32>
      %add3A_571 = arith.addi %iota3A, %add3A_570 : vector<16xi32>
      tpu.vector_store_idx %arg7[%add3A_571], %add3A_565 : memref<12576xf32, #tpu.memory_space<vmem>>[vector<16xi32>], vector<16xf32>,
      %add3A_572 = arith.constant 23 : i32
      %add3A_573 = vector.broadcast %add3A_572 : i32 to vector<16xi32>
      %add3A_574 = arith.addi %mul3A_85, %add3A_573 : vector<16xi32>
      %gather3A_575 = tpu.vector_load_idx %arg5[%add3A_574] : memref<98304xf32, #tpu.memory_space<vmem>>[vector<16xi32>], vector<16xf32>,
      %add3A_576 = arith.constant 23 : i32
      %add3A_577 = vector.broadcast %add3A_576 : i32 to vector<16xi32>
      %add3A_578 = arith.addi %mul3A_98, %add3A_577 : vector<16xi32>
      %gather3A_579 = tpu.vector_load_idx %arg5[%add3A_578] : memref<98304xf32, #tpu.memory_space<vmem>>[vector<16xi32>], vector<16xf32>,
      %add3A_580 = arith.addf %gather3A_575, %gather3A_579 : vector<16xf32>
      %add3A_581 = arith.constant 23 : i32
      %add3A_582 = vector.broadcast %add3A_581 : i32 to vector<16xi32>
      %add3A_583 = arith.addi %mul3A_111, %add3A_582 : vector<16xi32>
      %gather3A_584 = tpu.vector_load_idx %arg5[%add3A_583] : memref<98304xf32, #tpu.memory_space<vmem>>[vector<16xi32>], vector<16xf32>,
      %add3A_585 = arith.addf %add3A_580, %gather3A_584 : vector<16xf32>
      %add3A_586 = arith.constant 4508 : i32
      %add3A_587 = arith.addi %mul3A_60, %add3A_586 : i32
      %add3A_588 = arith.constant 192 : i32
      %add3A_589 = arith.addi %add3A_587, %add3A_588 : i32
      %add3A_590 = vector.broadcast %add3A_589 : i32 to vector<16xi32>
      %add3A_591 = arith.addi %iota3A, %add3A_590 : vector<16xi32>
      tpu.vector_store_idx %arg7[%add3A_591], %add3A_585 : memref<12576xf32, #tpu.memory_space<vmem>>[vector<16xi32>], vector<16xf32>,
      %add3A_592 = arith.constant 24 : i32
      %add3A_593 = vector.broadcast %add3A_592 : i32 to vector<16xi32>
      %add3A_594 = arith.addi %mul3A_85, %add3A_593 : vector<16xi32>
      %gather3A_595 = tpu.vector_load_idx %arg5[%add3A_594] : memref<98304xf32, #tpu.memory_space<vmem>>[vector<16xi32>], vector<16xf32>,
      %add3A_596 = arith.constant 24 : i32
      %add3A_597 = vector.broadcast %add3A_596 : i32 to vector<16xi32>
      %add3A_598 = arith.addi %mul3A_98, %add3A_597 : vector<16xi32>
      %gather3A_599 = tpu.vector_load_idx %arg5[%add3A_598] : memref<98304xf32, #tpu.memory_space<vmem>>[vector<16xi32>], vector<16xf32>,
      %add3A_600 = arith.addf %gather3A_595, %gather3A_599 : vector<16xf32>
      %add3A_601 = arith.constant 24 : i32
      %add3A_602 = vector.broadcast %add3A_601 : i32 to vector<16xi32>
      %add3A_603 = arith.addi %mul3A_111, %add3A_602 : vector<16xi32>
      %gather3A_604 = tpu.vector_load_idx %arg5[%add3A_603] : memref<98304xf32, #tpu.memory_space<vmem>>[vector<16xi32>], vector<16xf32>,
      %add3A_605 = arith.addf %add3A_600, %gather3A_604 : vector<16xf32>
      %add3A_606 = arith.constant 4704 : i32
      %add3A_607 = arith.addi %mul3A_60, %add3A_606 : i32
      %add3A_608 = arith.constant 192 : i32
      %add3A_609 = arith.addi %add3A_607, %add3A_608 : i32
      %add3A_610 = vector.broadcast %add3A_609 : i32 to vector<16xi32>
      %add3A_611 = arith.addi %iota3A, %add3A_610 : vector<16xi32>
      tpu.vector_store_idx %arg7[%add3A_611], %add3A_605 : memref<12576xf32, #tpu.memory_space<vmem>>[vector<16xi32>], vector<16xf32>,
      %add3A_612 = arith.constant 25 : i32
      %add3A_613 = vector.broadcast %add3A_612 : i32 to vector<16xi32>
      %add3A_614 = arith.addi %mul3A_85, %add3A_613 : vector<16xi32>
      %gather3A_615 = tpu.vector_load_idx %arg5[%add3A_614] : memref<98304xf32, #tpu.memory_space<vmem>>[vector<16xi32>], vector<16xf32>,
      %add3A_616 = arith.constant 25 : i32
      %add3A_617 = vector.broadcast %add3A_616 : i32 to vector<16xi32>
      %add3A_618 = arith.addi %mul3A_98, %add3A_617 : vector<16xi32>
      %gather3A_619 = tpu.vector_load_idx %arg5[%add3A_618] : memref<98304xf32, #tpu.memory_space<vmem>>[vector<16xi32>], vector<16xf32>,
      %add3A_620 = arith.addf %gather3A_615, %gather3A_619 : vector<16xf32>
      %add3A_621 = arith.constant 25 : i32
      %add3A_622 = vector.broadcast %add3A_621 : i32 to vector<16xi32>
      %add3A_623 = arith.addi %mul3A_111, %add3A_622 : vector<16xi32>
      %gather3A_624 = tpu.vector_load_idx %arg5[%add3A_623] : memref<98304xf32, #tpu.memory_space<vmem>>[vector<16xi32>], vector<16xf32>,
      %add3A_625 = arith.addf %add3A_620, %gather3A_624 : vector<16xf32>
      %add3A_626 = arith.constant 4900 : i32
      %add3A_627 = arith.addi %mul3A_60, %add3A_626 : i32
      %add3A_628 = arith.constant 192 : i32
      %add3A_629 = arith.addi %add3A_627, %add3A_628 : i32
      %add3A_630 = vector.broadcast %add3A_629 : i32 to vector<16xi32>
      %add3A_631 = arith.addi %iota3A, %add3A_630 : vector<16xi32>
      tpu.vector_store_idx %arg7[%add3A_631], %add3A_625 : memref<12576xf32, #tpu.memory_space<vmem>>[vector<16xi32>], vector<16xf32>,
      %add3A_632 = arith.constant 26 : i32
      %add3A_633 = vector.broadcast %add3A_632 : i32 to vector<16xi32>
      %add3A_634 = arith.addi %mul3A_85, %add3A_633 : vector<16xi32>
      %gather3A_635 = tpu.vector_load_idx %arg5[%add3A_634] : memref<98304xf32, #tpu.memory_space<vmem>>[vector<16xi32>], vector<16xf32>,
      %add3A_636 = arith.constant 26 : i32
      %add3A_637 = vector.broadcast %add3A_636 : i32 to vector<16xi32>
      %add3A_638 = arith.addi %mul3A_98, %add3A_637 : vector<16xi32>
      %gather3A_639 = tpu.vector_load_idx %arg5[%add3A_638] : memref<98304xf32, #tpu.memory_space<vmem>>[vector<16xi32>], vector<16xf32>,
      %add3A_640 = arith.addf %gather3A_635, %gather3A_639 : vector<16xf32>
      %add3A_641 = arith.constant 26 : i32
      %add3A_642 = vector.broadcast %add3A_641 : i32 to vector<16xi32>
      %add3A_643 = arith.addi %mul3A_111, %add3A_642 : vector<16xi32>
      %gather3A_644 = tpu.vector_load_idx %arg5[%add3A_643] : memref<98304xf32, #tpu.memory_space<vmem>>[vector<16xi32>], vector<16xf32>,
      %add3A_645 = arith.addf %add3A_640, %gather3A_644 : vector<16xf32>
      %add3A_646 = arith.constant 5096 : i32
      %add3A_647 = arith.addi %mul3A_60, %add3A_646 : i32
      %add3A_648 = arith.constant 192 : i32
      %add3A_649 = arith.addi %add3A_647, %add3A_648 : i32
      %add3A_650 = vector.broadcast %add3A_649 : i32 to vector<16xi32>
      %add3A_651 = arith.addi %iota3A, %add3A_650 : vector<16xi32>
      tpu.vector_store_idx %arg7[%add3A_651], %add3A_645 : memref<12576xf32, #tpu.memory_space<vmem>>[vector<16xi32>], vector<16xf32>,
      %add3A_652 = arith.constant 27 : i32
      %add3A_653 = vector.broadcast %add3A_652 : i32 to vector<16xi32>
      %add3A_654 = arith.addi %mul3A_85, %add3A_653 : vector<16xi32>
      %gather3A_655 = tpu.vector_load_idx %arg5[%add3A_654] : memref<98304xf32, #tpu.memory_space<vmem>>[vector<16xi32>], vector<16xf32>,
      %add3A_656 = arith.constant 27 : i32
      %add3A_657 = vector.broadcast %add3A_656 : i32 to vector<16xi32>
      %add3A_658 = arith.addi %mul3A_98, %add3A_657 : vector<16xi32>
      %gather3A_659 = tpu.vector_load_idx %arg5[%add3A_658] : memref<98304xf32, #tpu.memory_space<vmem>>[vector<16xi32>], vector<16xf32>,
      %add3A_660 = arith.addf %gather3A_655, %gather3A_659 : vector<16xf32>
      %add3A_661 = arith.constant 27 : i32
      %add3A_662 = vector.broadcast %add3A_661 : i32 to vector<16xi32>
      %add3A_663 = arith.addi %mul3A_111, %add3A_662 : vector<16xi32>
      %gather3A_664 = tpu.vector_load_idx %arg5[%add3A_663] : memref<98304xf32, #tpu.memory_space<vmem>>[vector<16xi32>], vector<16xf32>,
      %add3A_665 = arith.addf %add3A_660, %gather3A_664 : vector<16xf32>
      %add3A_666 = arith.constant 5292 : i32
      %add3A_667 = arith.addi %mul3A_60, %add3A_666 : i32
      %add3A_668 = arith.constant 192 : i32
      %add3A_669 = arith.addi %add3A_667, %add3A_668 : i32
      %add3A_670 = vector.broadcast %add3A_669 : i32 to vector<16xi32>
      %add3A_671 = arith.addi %iota3A, %add3A_670 : vector<16xi32>
      tpu.vector_store_idx %arg7[%add3A_671], %add3A_665 : memref<12576xf32, #tpu.memory_space<vmem>>[vector<16xi32>], vector<16xf32>,
      %add3A_672 = arith.constant 28 : i32
      %add3A_673 = vector.broadcast %add3A_672 : i32 to vector<16xi32>
      %add3A_674 = arith.addi %mul3A_85, %add3A_673 : vector<16xi32>
      %gather3A_675 = tpu.vector_load_idx %arg5[%add3A_674] : memref<98304xf32, #tpu.memory_space<vmem>>[vector<16xi32>], vector<16xf32>,
      %add3A_676 = arith.constant 28 : i32
      %add3A_677 = vector.broadcast %add3A_676 : i32 to vector<16xi32>
      %add3A_678 = arith.addi %mul3A_98, %add3A_677 : vector<16xi32>
      %gather3A_679 = tpu.vector_load_idx %arg5[%add3A_678] : memref<98304xf32, #tpu.memory_space<vmem>>[vector<16xi32>], vector<16xf32>,
      %add3A_680 = arith.addf %gather3A_675, %gather3A_679 : vector<16xf32>
      %add3A_681 = arith.constant 28 : i32
      %add3A_682 = vector.broadcast %add3A_681 : i32 to vector<16xi32>
      %add3A_683 = arith.addi %mul3A_111, %add3A_682 : vector<16xi32>
      %gather3A_684 = tpu.vector_load_idx %arg5[%add3A_683] : memref<98304xf32, #tpu.memory_space<vmem>>[vector<16xi32>], vector<16xf32>,
      %add3A_685 = arith.addf %add3A_680, %gather3A_684 : vector<16xf32>
      %add3A_686 = arith.constant 5488 : i32
      %add3A_687 = arith.addi %mul3A_60, %add3A_686 : i32
      %add3A_688 = arith.constant 192 : i32
      %add3A_689 = arith.addi %add3A_687, %add3A_688 : i32
      %add3A_690 = vector.broadcast %add3A_689 : i32 to vector<16xi32>
      %add3A_691 = arith.addi %iota3A, %add3A_690 : vector<16xi32>
      tpu.vector_store_idx %arg7[%add3A_691], %add3A_685 : memref<12576xf32, #tpu.memory_space<vmem>>[vector<16xi32>], vector<16xf32>,
      %add3A_692 = arith.constant 29 : i32
      %add3A_693 = vector.broadcast %add3A_692 : i32 to vector<16xi32>
      %add3A_694 = arith.addi %mul3A_85, %add3A_693 : vector<16xi32>
      %gather3A_695 = tpu.vector_load_idx %arg5[%add3A_694] : memref<98304xf32, #tpu.memory_space<vmem>>[vector<16xi32>], vector<16xf32>,
      %add3A_696 = arith.constant 29 : i32
      %add3A_697 = vector.broadcast %add3A_696 : i32 to vector<16xi32>
      %add3A_698 = arith.addi %mul3A_98, %add3A_697 : vector<16xi32>
      %gather3A_699 = tpu.vector_load_idx %arg5[%add3A_698] : memref<98304xf32, #tpu.memory_space<vmem>>[vector<16xi32>], vector<16xf32>,
      %add3A_700 = arith.addf %gather3A_695, %gather3A_699 : vector<16xf32>
      %add3A_701 = arith.constant 29 : i32
      %add3A_702 = vector.broadcast %add3A_701 : i32 to vector<16xi32>
      %add3A_703 = arith.addi %mul3A_111, %add3A_702 : vector<16xi32>
      %gather3A_704 = tpu.vector_load_idx %arg5[%add3A_703] : memref<98304xf32, #tpu.memory_space<vmem>>[vector<16xi32>], vector<16xf32>,
      %add3A_705 = arith.addf %add3A_700, %gather3A_704 : vector<16xf32>
      %add3A_706 = arith.constant 5684 : i32
      %add3A_707 = arith.addi %mul3A_60, %add3A_706 : i32
      %add3A_708 = arith.constant 192 : i32
      %add3A_709 = arith.addi %add3A_707, %add3A_708 : i32
      %add3A_710 = vector.broadcast %add3A_709 : i32 to vector<16xi32>
      %add3A_711 = arith.addi %iota3A, %add3A_710 : vector<16xi32>
      tpu.vector_store_idx %arg7[%add3A_711], %add3A_705 : memref<12576xf32, #tpu.memory_space<vmem>>[vector<16xi32>], vector<16xf32>,
      %add3A_712 = arith.constant 30 : i32
      %add3A_713 = vector.broadcast %add3A_712 : i32 to vector<16xi32>
      %add3A_714 = arith.addi %mul3A_85, %add3A_713 : vector<16xi32>
      %gather3A_715 = tpu.vector_load_idx %arg5[%add3A_714] : memref<98304xf32, #tpu.memory_space<vmem>>[vector<16xi32>], vector<16xf32>,
      %add3A_716 = arith.constant 30 : i32
      %add3A_717 = vector.broadcast %add3A_716 : i32 to vector<16xi32>
      %add3A_718 = arith.addi %mul3A_98, %add3A_717 : vector<16xi32>
      %gather3A_719 = tpu.vector_load_idx %arg5[%add3A_718] : memref<98304xf32, #tpu.memory_space<vmem>>[vector<16xi32>], vector<16xf32>,
      %add3A_720 = arith.addf %gather3A_715, %gather3A_719 : vector<16xf32>
      %add3A_721 = arith.constant 30 : i32
      %add3A_722 = vector.broadcast %add3A_721 : i32 to vector<16xi32>
      %add3A_723 = arith.addi %mul3A_111, %add3A_722 : vector<16xi32>
      %gather3A_724 = tpu.vector_load_idx %arg5[%add3A_723] : memref<98304xf32, #tpu.memory_space<vmem>>[vector<16xi32>], vector<16xf32>,
      %add3A_725 = arith.addf %add3A_720, %gather3A_724 : vector<16xf32>
      %add3A_726 = arith.constant 5880 : i32
      %add3A_727 = arith.addi %mul3A_60, %add3A_726 : i32
      %add3A_728 = arith.constant 192 : i32
      %add3A_729 = arith.addi %add3A_727, %add3A_728 : i32
      %add3A_730 = vector.broadcast %add3A_729 : i32 to vector<16xi32>
      %add3A_731 = arith.addi %iota3A, %add3A_730 : vector<16xi32>
      tpu.vector_store_idx %arg7[%add3A_731], %add3A_725 : memref<12576xf32, #tpu.memory_space<vmem>>[vector<16xi32>], vector<16xf32>,
      %add3A_732 = arith.constant 31 : i32
      %add3A_733 = vector.broadcast %add3A_732 : i32 to vector<16xi32>
      %add3A_734 = arith.addi %mul3A_85, %add3A_733 : vector<16xi32>
      %gather3A_735 = tpu.vector_load_idx %arg5[%add3A_734] : memref<98304xf32, #tpu.memory_space<vmem>>[vector<16xi32>], vector<16xf32>,
      %add3A_736 = arith.constant 31 : i32
      %add3A_737 = vector.broadcast %add3A_736 : i32 to vector<16xi32>
      %add3A_738 = arith.addi %mul3A_98, %add3A_737 : vector<16xi32>
      %gather3A_739 = tpu.vector_load_idx %arg5[%add3A_738] : memref<98304xf32, #tpu.memory_space<vmem>>[vector<16xi32>], vector<16xf32>,
      %add3A_740 = arith.addf %gather3A_735, %gather3A_739 : vector<16xf32>
      %add3A_741 = arith.constant 31 : i32
      %add3A_742 = vector.broadcast %add3A_741 : i32 to vector<16xi32>
      %add3A_743 = arith.addi %mul3A_111, %add3A_742 : vector<16xi32>
      %gather3A_744 = tpu.vector_load_idx %arg5[%add3A_743] : memref<98304xf32, #tpu.memory_space<vmem>>[vector<16xi32>], vector<16xf32>,
      %add3A_745 = arith.addf %add3A_740, %gather3A_744 : vector<16xf32>
      %add3A_746 = arith.constant 6076 : i32
      %add3A_747 = arith.addi %mul3A_60, %add3A_746 : i32
      %add3A_748 = arith.constant 192 : i32
      %add3A_749 = arith.addi %add3A_747, %add3A_748 : i32
      %add3A_750 = vector.broadcast %add3A_749 : i32 to vector<16xi32>
      %add3A_751 = arith.addi %iota3A, %add3A_750 : vector<16xi32>
      tpu.vector_store_idx %arg7[%add3A_751], %add3A_745 : memref<12576xf32, #tpu.memory_space<vmem>>[vector<16xi32>], vector<16xf32>,
      %scan3A_752 = arith.constant 0 : i32
      %scan3A_753 = arith.constant 0 : i32
      %scan3A_754 = arith.constant 12 : i32
      %scan3A_755 = arith.addi %scan3A_753, %scan3A_754 : i32
      %scan3A_756 = arith.constant 1 : i32
      scf.for %scan3A_763 = %scan3A_753 to %scan3A_755 step %scan3A_756  : i32 {
        %mul3A_764 = arith.constant 16 : i32
        %mul3A_765 = arith.muli %scan3A_763, %mul3A_764 : i32
        %add3A_766 = arith.addi %mul3A_78, %mul3A_765 : i32
        %add3A_767 = vector.broadcast %add3A_766 : i32 to vector<16xi32>
        %add3A_768 = arith.addi %iota3A, %add3A_767 : vector<16xi32>
        %gather3A_769 = tpu.vector_load_idx %arg6[%add3A_768] : memref<4720xi32, #tpu.memory_space<vmem>>[vector<16xi32>], vector<16xi32>,
        %mul3A_770 = arith.constant 32 : i32
        %mul3A_771 = vector.broadcast %mul3A_770 : i32 to vector<16xi32>
        %mul3A_772 = arith.muli %gather3A_769, %mul3A_771 : vector<16xi32>
        %add3A_773 = arith.constant 196 : i32
        %add3A_774 = arith.addi %mul3A_78, %add3A_773 : i32
        %add3A_775 = arith.addi %add3A_774, %mul3A_765 : i32
        %add3A_776 = vector.broadcast %add3A_775 : i32 to vector<16xi32>
        %add3A_777 = arith.addi %iota3A, %add3A_776 : vector<16xi32>
        %gather3A_778 = tpu.vector_load_idx %arg6[%add3A_777] : memref<4720xi32, #tpu.memory_space<vmem>>[vector<16xi32>], vector<16xi32>,
        %add3A_779 = arith.constant 1024 : i32
        %add3A_780 = vector.broadcast %add3A_779 : i32 to vector<16xi32>
        %add3A_781 = arith.addi %gather3A_778, %add3A_780 : vector<16xi32>
        %mul3A_782 = arith.constant 32 : i32
        %mul3A_783 = vector.broadcast %mul3A_782 : i32 to vector<16xi32>
        %mul3A_784 = arith.muli %add3A_781, %mul3A_783 : vector<16xi32>
        %add3A_785 = arith.constant 392 : i32
        %add3A_786 = arith.addi %mul3A_78, %add3A_785 : i32
        %add3A_787 = arith.addi %add3A_786, %mul3A_765 : i32
        %add3A_788 = vector.broadcast %add3A_787 : i32 to vector<16xi32>
        %add3A_789 = arith.addi %iota3A, %add3A_788 : vector<16xi32>
        %gather3A_790 = tpu.vector_load_idx %arg6[%add3A_789] : memref<4720xi32, #tpu.memory_space<vmem>>[vector<16xi32>], vector<16xi32>,
        %add3A_791 = arith.constant 2048 : i32
        %add3A_792 = vector.broadcast %add3A_791 : i32 to vector<16xi32>
        %add3A_793 = arith.addi %gather3A_790, %add3A_792 : vector<16xi32>
        %mul3A_794 = arith.constant 32 : i32
        %mul3A_795 = vector.broadcast %mul3A_794 : i32 to vector<16xi32>
        %mul3A_796 = arith.muli %add3A_793, %mul3A_795 : vector<16xi32>
        %add3A_797 = arith.constant 0 : i32
        %add3A_798 = vector.broadcast %add3A_797 : i32 to vector<16xi32>
        %add3A_799 = arith.addi %mul3A_772, %add3A_798 : vector<16xi32>
        %gather3A_800 = tpu.vector_load_idx %arg5[%add3A_799] : memref<98304xf32, #tpu.memory_space<vmem>>[vector<16xi32>], vector<16xf32>,
        %add3A_801 = arith.constant 0 : i32
        %add3A_802 = vector.broadcast %add3A_801 : i32 to vector<16xi32>
        %add3A_803 = arith.addi %mul3A_784, %add3A_802 : vector<16xi32>
        %gather3A_804 = tpu.vector_load_idx %arg5[%add3A_803] : memref<98304xf32, #tpu.memory_space<vmem>>[vector<16xi32>], vector<16xf32>,
        %add3A_805 = arith.addf %gather3A_800, %gather3A_804 : vector<16xf32>
        %add3A_806 = arith.constant 0 : i32
        %add3A_807 = vector.broadcast %add3A_806 : i32 to vector<16xi32>
        %add3A_808 = arith.addi %mul3A_796, %add3A_807 : vector<16xi32>
        %gather3A_809 = tpu.vector_load_idx %arg5[%add3A_808] : memref<98304xf32, #tpu.memory_space<vmem>>[vector<16xi32>], vector<16xf32>,
        %add3A_810 = arith.addf %add3A_805, %gather3A_809 : vector<16xf32>
        %add3A_811 = arith.constant 0 : i32
        %add3A_812 = arith.addi %mul3A_60, %add3A_811 : i32
        %add3A_813 = arith.addi %add3A_812, %mul3A_765 : i32
        %add3A_814 = vector.broadcast %add3A_813 : i32 to vector<16xi32>
        %add3A_815 = arith.addi %iota3A, %add3A_814 : vector<16xi32>
        tpu.vector_store_idx %arg7[%add3A_815], %add3A_810 : memref<12576xf32, #tpu.memory_space<vmem>>[vector<16xi32>], vector<16xf32>,
        %add3A_816 = arith.constant 1 : i32
        %add3A_817 = vector.broadcast %add3A_816 : i32 to vector<16xi32>
        %add3A_818 = arith.addi %mul3A_772, %add3A_817 : vector<16xi32>
        %gather3A_819 = tpu.vector_load_idx %arg5[%add3A_818] : memref<98304xf32, #tpu.memory_space<vmem>>[vector<16xi32>], vector<16xf32>,
        %add3A_820 = arith.constant 1 : i32
        %add3A_821 = vector.broadcast %add3A_820 : i32 to vector<16xi32>
        %add3A_822 = arith.addi %mul3A_784, %add3A_821 : vector<16xi32>
        %gather3A_823 = tpu.vector_load_idx %arg5[%add3A_822] : memref<98304xf32, #tpu.memory_space<vmem>>[vector<16xi32>], vector<16xf32>,
        %add3A_824 = arith.addf %gather3A_819, %gather3A_823 : vector<16xf32>
        %add3A_825 = arith.constant 1 : i32
        %add3A_826 = vector.broadcast %add3A_825 : i32 to vector<16xi32>
        %add3A_827 = arith.addi %mul3A_796, %add3A_826 : vector<16xi32>
        %gather3A_828 = tpu.vector_load_idx %arg5[%add3A_827] : memref<98304xf32, #tpu.memory_space<vmem>>[vector<16xi32>], vector<16xf32>,
        %add3A_829 = arith.addf %add3A_824, %gather3A_828 : vector<16xf32>
        %add3A_830 = arith.constant 196 : i32
        %add3A_831 = arith.addi %mul3A_60, %add3A_830 : i32
        %add3A_832 = arith.addi %add3A_831, %mul3A_765 : i32
        %add3A_833 = vector.broadcast %add3A_832 : i32 to vector<16xi32>
        %add3A_834 = arith.addi %iota3A, %add3A_833 : vector<16xi32>
        tpu.vector_store_idx %arg7[%add3A_834], %add3A_829 : memref<12576xf32, #tpu.memory_space<vmem>>[vector<16xi32>], vector<16xf32>,
        %add3A_835 = arith.constant 2 : i32
        %add3A_836 = vector.broadcast %add3A_835 : i32 to vector<16xi32>
        %add3A_837 = arith.addi %mul3A_772, %add3A_836 : vector<16xi32>
        %gather3A_838 = tpu.vector_load_idx %arg5[%add3A_837] : memref<98304xf32, #tpu.memory_space<vmem>>[vector<16xi32>], vector<16xf32>,
        %add3A_839 = arith.constant 2 : i32
        %add3A_840 = vector.broadcast %add3A_839 : i32 to vector<16xi32>
        %add3A_841 = arith.addi %mul3A_784, %add3A_840 : vector<16xi32>
        %gather3A_842 = tpu.vector_load_idx %arg5[%add3A_841] : memref<98304xf32, #tpu.memory_space<vmem>>[vector<16xi32>], vector<16xf32>,
        %add3A_843 = arith.addf %gather3A_838, %gather3A_842 : vector<16xf32>
        %add3A_844 = arith.constant 2 : i32
        %add3A_845 = vector.broadcast %add3A_844 : i32 to vector<16xi32>
        %add3A_846 = arith.addi %mul3A_796, %add3A_845 : vector<16xi32>
        %gather3A_847 = tpu.vector_load_idx %arg5[%add3A_846] : memref<98304xf32, #tpu.memory_space<vmem>>[vector<16xi32>], vector<16xf32>,
        %add3A_848 = arith.addf %add3A_843, %gather3A_847 : vector<16xf32>
        %add3A_849 = arith.constant 392 : i32
        %add3A_850 = arith.addi %mul3A_60, %add3A_849 : i32
        %add3A_851 = arith.addi %add3A_850, %mul3A_765 : i32
        %add3A_852 = vector.broadcast %add3A_851 : i32 to vector<16xi32>
        %add3A_853 = arith.addi %iota3A, %add3A_852 : vector<16xi32>
        tpu.vector_store_idx %arg7[%add3A_853], %add3A_848 : memref<12576xf32, #tpu.memory_space<vmem>>[vector<16xi32>], vector<16xf32>,
        %add3A_854 = arith.constant 3 : i32
        %add3A_855 = vector.broadcast %add3A_854 : i32 to vector<16xi32>
        %add3A_856 = arith.addi %mul3A_772, %add3A_855 : vector<16xi32>
        %gather3A_857 = tpu.vector_load_idx %arg5[%add3A_856] : memref<98304xf32, #tpu.memory_space<vmem>>[vector<16xi32>], vector<16xf32>,
        %add3A_858 = arith.constant 3 : i32
        %add3A_859 = vector.broadcast %add3A_858 : i32 to vector<16xi32>
        %add3A_860 = arith.addi %mul3A_784, %add3A_859 : vector<16xi32>
        %gather3A_861 = tpu.vector_load_idx %arg5[%add3A_860] : memref<98304xf32, #tpu.memory_space<vmem>>[vector<16xi32>], vector<16xf32>,
        %add3A_862 = arith.addf %gather3A_857, %gather3A_861 : vector<16xf32>
        %add3A_863 = arith.constant 3 : i32
        %add3A_864 = vector.broadcast %add3A_863 : i32 to vector<16xi32>
        %add3A_865 = arith.addi %mul3A_796, %add3A_864 : vector<16xi32>
        %gather3A_866 = tpu.vector_load_idx %arg5[%add3A_865] : memref<98304xf32, #tpu.memory_space<vmem>>[vector<16xi32>], vector<16xf32>,
        %add3A_867 = arith.addf %add3A_862, %gather3A_866 : vector<16xf32>
        %add3A_868 = arith.constant 588 : i32
        %add3A_869 = arith.addi %mul3A_60, %add3A_868 : i32
        %add3A_870 = arith.addi %add3A_869, %mul3A_765 : i32
        %add3A_871 = vector.broadcast %add3A_870 : i32 to vector<16xi32>
        %add3A_872 = arith.addi %iota3A, %add3A_871 : vector<16xi32>
        tpu.vector_store_idx %arg7[%add3A_872], %add3A_867 : memref<12576xf32, #tpu.memory_space<vmem>>[vector<16xi32>], vector<16xf32>,
        %add3A_873 = arith.constant 4 : i32
        %add3A_874 = vector.broadcast %add3A_873 : i32 to vector<16xi32>
        %add3A_875 = arith.addi %mul3A_772, %add3A_874 : vector<16xi32>
        %gather3A_876 = tpu.vector_load_idx %arg5[%add3A_875] : memref<98304xf32, #tpu.memory_space<vmem>>[vector<16xi32>], vector<16xf32>,
        %add3A_877 = arith.constant 4 : i32
        %add3A_878 = vector.broadcast %add3A_877 : i32 to vector<16xi32>
        %add3A_879 = arith.addi %mul3A_784, %add3A_878 : vector<16xi32>
        %gather3A_880 = tpu.vector_load_idx %arg5[%add3A_879] : memref<98304xf32, #tpu.memory_space<vmem>>[vector<16xi32>], vector<16xf32>,
        %add3A_881 = arith.addf %gather3A_876, %gather3A_880 : vector<16xf32>
        %add3A_882 = arith.constant 4 : i32
        %add3A_883 = vector.broadcast %add3A_882 : i32 to vector<16xi32>
        %add3A_884 = arith.addi %mul3A_796, %add3A_883 : vector<16xi32>
        %gather3A_885 = tpu.vector_load_idx %arg5[%add3A_884] : memref<98304xf32, #tpu.memory_space<vmem>>[vector<16xi32>], vector<16xf32>,
        %add3A_886 = arith.addf %add3A_881, %gather3A_885 : vector<16xf32>
        %add3A_887 = arith.constant 784 : i32
        %add3A_888 = arith.addi %mul3A_60, %add3A_887 : i32
        %add3A_889 = arith.addi %add3A_888, %mul3A_765 : i32
        %add3A_890 = vector.broadcast %add3A_889 : i32 to vector<16xi32>
        %add3A_891 = arith.addi %iota3A, %add3A_890 : vector<16xi32>
        tpu.vector_store_idx %arg7[%add3A_891], %add3A_886 : memref<12576xf32, #tpu.memory_space<vmem>>[vector<16xi32>], vector<16xf32>,
        %add3A_892 = arith.constant 5 : i32
        %add3A_893 = vector.broadcast %add3A_892 : i32 to vector<16xi32>
        %add3A_894 = arith.addi %mul3A_772, %add3A_893 : vector<16xi32>
        %gather3A_895 = tpu.vector_load_idx %arg5[%add3A_894] : memref<98304xf32, #tpu.memory_space<vmem>>[vector<16xi32>], vector<16xf32>,
        %add3A_896 = arith.constant 5 : i32
        %add3A_897 = vector.broadcast %add3A_896 : i32 to vector<16xi32>
        %add3A_898 = arith.addi %mul3A_784, %add3A_897 : vector<16xi32>
        %gather3A_899 = tpu.vector_load_idx %arg5[%add3A_898] : memref<98304xf32, #tpu.memory_space<vmem>>[vector<16xi32>], vector<16xf32>,
        %add3A_900 = arith.addf %gather3A_895, %gather3A_899 : vector<16xf32>
        %add3A_901 = arith.constant 5 : i32
        %add3A_902 = vector.broadcast %add3A_901 : i32 to vector<16xi32>
        %add3A_903 = arith.addi %mul3A_796, %add3A_902 : vector<16xi32>
        %gather3A_904 = tpu.vector_load_idx %arg5[%add3A_903] : memref<98304xf32, #tpu.memory_space<vmem>>[vector<16xi32>], vector<16xf32>,
        %add3A_905 = arith.addf %add3A_900, %gather3A_904 : vector<16xf32>
        %add3A_906 = arith.constant 980 : i32
        %add3A_907 = arith.addi %mul3A_60, %add3A_906 : i32
        %add3A_908 = arith.addi %add3A_907, %mul3A_765 : i32
        %add3A_909 = vector.broadcast %add3A_908 : i32 to vector<16xi32>
        %add3A_910 = arith.addi %iota3A, %add3A_909 : vector<16xi32>
        tpu.vector_store_idx %arg7[%add3A_910], %add3A_905 : memref<12576xf32, #tpu.memory_space<vmem>>[vector<16xi32>], vector<16xf32>,
        %add3A_911 = arith.constant 6 : i32
        %add3A_912 = vector.broadcast %add3A_911 : i32 to vector<16xi32>
        %add3A_913 = arith.addi %mul3A_772, %add3A_912 : vector<16xi32>
        %gather3A_914 = tpu.vector_load_idx %arg5[%add3A_913] : memref<98304xf32, #tpu.memory_space<vmem>>[vector<16xi32>], vector<16xf32>,
        %add3A_915 = arith.constant 6 : i32
        %add3A_916 = vector.broadcast %add3A_915 : i32 to vector<16xi32>
        %add3A_917 = arith.addi %mul3A_784, %add3A_916 : vector<16xi32>
        %gather3A_918 = tpu.vector_load_idx %arg5[%add3A_917] : memref<98304xf32, #tpu.memory_space<vmem>>[vector<16xi32>], vector<16xf32>,
        %add3A_919 = arith.addf %gather3A_914, %gather3A_918 : vector<16xf32>
        %add3A_920 = arith.constant 6 : i32
        %add3A_921 = vector.broadcast %add3A_920 : i32 to vector<16xi32>
        %add3A_922 = arith.addi %mul3A_796, %add3A_921 : vector<16xi32>
        %gather3A_923 = tpu.vector_load_idx %arg5[%add3A_922] : memref<98304xf32, #tpu.memory_space<vmem>>[vector<16xi32>], vector<16xf32>,
        %add3A_924 = arith.addf %add3A_919, %gather3A_923 : vector<16xf32>
        %add3A_925 = arith.constant 1176 : i32
        %add3A_926 = arith.addi %mul3A_60, %add3A_925 : i32
        %add3A_927 = arith.addi %add3A_926, %mul3A_765 : i32
        %add3A_928 = vector.broadcast %add3A_927 : i32 to vector<16xi32>
        %add3A_929 = arith.addi %iota3A, %add3A_928 : vector<16xi32>
        tpu.vector_store_idx %arg7[%add3A_929], %add3A_924 : memref<12576xf32, #tpu.memory_space<vmem>>[vector<16xi32>], vector<16xf32>,
        %add3A_930 = arith.constant 7 : i32
        %add3A_931 = vector.broadcast %add3A_930 : i32 to vector<16xi32>
        %add3A_932 = arith.addi %mul3A_772, %add3A_931 : vector<16xi32>
        %gather3A_933 = tpu.vector_load_idx %arg5[%add3A_932] : memref<98304xf32, #tpu.memory_space<vmem>>[vector<16xi32>], vector<16xf32>,
        %add3A_934 = arith.constant 7 : i32
        %add3A_935 = vector.broadcast %add3A_934 : i32 to vector<16xi32>
        %add3A_936 = arith.addi %mul3A_784, %add3A_935 : vector<16xi32>
        %gather3A_937 = tpu.vector_load_idx %arg5[%add3A_936] : memref<98304xf32, #tpu.memory_space<vmem>>[vector<16xi32>], vector<16xf32>,
        %add3A_938 = arith.addf %gather3A_933, %gather3A_937 : vector<16xf32>
        %add3A_939 = arith.constant 7 : i32
        %add3A_940 = vector.broadcast %add3A_939 : i32 to vector<16xi32>
        %add3A_941 = arith.addi %mul3A_796, %add3A_940 : vector<16xi32>
        %gather3A_942 = tpu.vector_load_idx %arg5[%add3A_941] : memref<98304xf32, #tpu.memory_space<vmem>>[vector<16xi32>], vector<16xf32>,
        %add3A_943 = arith.addf %add3A_938, %gather3A_942 : vector<16xf32>
        %add3A_944 = arith.constant 1372 : i32
        %add3A_945 = arith.addi %mul3A_60, %add3A_944 : i32
        %add3A_946 = arith.addi %add3A_945, %mul3A_765 : i32
        %add3A_947 = vector.broadcast %add3A_946 : i32 to vector<16xi32>
        %add3A_948 = arith.addi %iota3A, %add3A_947 : vector<16xi32>
        tpu.vector_store_idx %arg7[%add3A_948], %add3A_943 : memref<12576xf32, #tpu.memory_space<vmem>>[vector<16xi32>], vector<16xf32>,
        %add3A_949 = arith.constant 8 : i32
        %add3A_950 = vector.broadcast %add3A_949 : i32 to vector<16xi32>
        %add3A_951 = arith.addi %mul3A_772, %add3A_950 : vector<16xi32>
        %gather3A_952 = tpu.vector_load_idx %arg5[%add3A_951] : memref<98304xf32, #tpu.memory_space<vmem>>[vector<16xi32>], vector<16xf32>,
        %add3A_953 = arith.constant 8 : i32
        %add3A_954 = vector.broadcast %add3A_953 : i32 to vector<16xi32>
        %add3A_955 = arith.addi %mul3A_784, %add3A_954 : vector<16xi32>
        %gather3A_956 = tpu.vector_load_idx %arg5[%add3A_955] : memref<98304xf32, #tpu.memory_space<vmem>>[vector<16xi32>], vector<16xf32>,
        %add3A_957 = arith.addf %gather3A_952, %gather3A_956 : vector<16xf32>
        %add3A_958 = arith.constant 8 : i32
        %add3A_959 = vector.broadcast %add3A_958 : i32 to vector<16xi32>
        %add3A_960 = arith.addi %mul3A_796, %add3A_959 : vector<16xi32>
        %gather3A_961 = tpu.vector_load_idx %arg5[%add3A_960] : memref<98304xf32, #tpu.memory_space<vmem>>[vector<16xi32>], vector<16xf32>,
        %add3A_962 = arith.addf %add3A_957, %gather3A_961 : vector<16xf32>
        %add3A_963 = arith.constant 1568 : i32
        %add3A_964 = arith.addi %mul3A_60, %add3A_963 : i32
        %add3A_965 = arith.addi %add3A_964, %mul3A_765 : i32
        %add3A_966 = vector.broadcast %add3A_965 : i32 to vector<16xi32>
        %add3A_967 = arith.addi %iota3A, %add3A_966 : vector<16xi32>
        tpu.vector_store_idx %arg7[%add3A_967], %add3A_962 : memref<12576xf32, #tpu.memory_space<vmem>>[vector<16xi32>], vector<16xf32>,
        %add3A_968 = arith.constant 9 : i32
        %add3A_969 = vector.broadcast %add3A_968 : i32 to vector<16xi32>
        %add3A_970 = arith.addi %mul3A_772, %add3A_969 : vector<16xi32>
        %gather3A_971 = tpu.vector_load_idx %arg5[%add3A_970] : memref<98304xf32, #tpu.memory_space<vmem>>[vector<16xi32>], vector<16xf32>,
        %add3A_972 = arith.constant 9 : i32
        %add3A_973 = vector.broadcast %add3A_972 : i32 to vector<16xi32>
        %add3A_974 = arith.addi %mul3A_784, %add3A_973 : vector<16xi32>
        %gather3A_975 = tpu.vector_load_idx %arg5[%add3A_974] : memref<98304xf32, #tpu.memory_space<vmem>>[vector<16xi32>], vector<16xf32>,
        %add3A_976 = arith.addf %gather3A_971, %gather3A_975 : vector<16xf32>
        %add3A_977 = arith.constant 9 : i32
        %add3A_978 = vector.broadcast %add3A_977 : i32 to vector<16xi32>
        %add3A_979 = arith.addi %mul3A_796, %add3A_978 : vector<16xi32>
        %gather3A_980 = tpu.vector_load_idx %arg5[%add3A_979] : memref<98304xf32, #tpu.memory_space<vmem>>[vector<16xi32>], vector<16xf32>,
        %add3A_981 = arith.addf %add3A_976, %gather3A_980 : vector<16xf32>
        %add3A_982 = arith.constant 1764 : i32
        %add3A_983 = arith.addi %mul3A_60, %add3A_982 : i32
        %add3A_984 = arith.addi %add3A_983, %mul3A_765 : i32
        %add3A_985 = vector.broadcast %add3A_984 : i32 to vector<16xi32>
        %add3A_986 = arith.addi %iota3A, %add3A_985 : vector<16xi32>
        tpu.vector_store_idx %arg7[%add3A_986], %add3A_981 : memref<12576xf32, #tpu.memory_space<vmem>>[vector<16xi32>], vector<16xf32>,
        %add3A_987 = arith.constant 10 : i32
        %add3A_988 = vector.broadcast %add3A_987 : i32 to vector<16xi32>
        %add3A_989 = arith.addi %mul3A_772, %add3A_988 : vector<16xi32>
        %gather3A_990 = tpu.vector_load_idx %arg5[%add3A_989] : memref<98304xf32, #tpu.memory_space<vmem>>[vector<16xi32>], vector<16xf32>,
        %add3A_991 = arith.constant 10 : i32
        %add3A_992 = vector.broadcast %add3A_991 : i32 to vector<16xi32>
        %add3A_993 = arith.addi %mul3A_784, %add3A_992 : vector<16xi32>
        %gather3A_994 = tpu.vector_load_idx %arg5[%add3A_993] : memref<98304xf32, #tpu.memory_space<vmem>>[vector<16xi32>], vector<16xf32>,
        %add3A_995 = arith.addf %gather3A_990, %gather3A_994 : vector<16xf32>
        %add3A_996 = arith.constant 10 : i32
        %add3A_997 = vector.broadcast %add3A_996 : i32 to vector<16xi32>
        %add3A_998 = arith.addi %mul3A_796, %add3A_997 : vector<16xi32>
        %gather3A_999 = tpu.vector_load_idx %arg5[%add3A_998] : memref<98304xf32, #tpu.memory_space<vmem>>[vector<16xi32>], vector<16xf32>,
        %add3A_1000 = arith.addf %add3A_995, %gather3A_999 : vector<16xf32>
        %add3A_1001 = arith.constant 1960 : i32
        %add3A_1002 = arith.addi %mul3A_60, %add3A_1001 : i32
        %add3A_1003 = arith.addi %add3A_1002, %mul3A_765 : i32
        %add3A_1004 = vector.broadcast %add3A_1003 : i32 to vector<16xi32>
        %add3A_1005 = arith.addi %iota3A, %add3A_1004 : vector<16xi32>
        tpu.vector_store_idx %arg7[%add3A_1005], %add3A_1000 : memref<12576xf32, #tpu.memory_space<vmem>>[vector<16xi32>], vector<16xf32>,
        %add3A_1006 = arith.constant 11 : i32
        %add3A_1007 = vector.broadcast %add3A_1006 : i32 to vector<16xi32>
        %add3A_1008 = arith.addi %mul3A_772, %add3A_1007 : vector<16xi32>
        %gather3A_1009 = tpu.vector_load_idx %arg5[%add3A_1008] : memref<98304xf32, #tpu.memory_space<vmem>>[vector<16xi32>], vector<16xf32>,
        %add3A_1010 = arith.constant 11 : i32
        %add3A_1011 = vector.broadcast %add3A_1010 : i32 to vector<16xi32>
        %add3A_1012 = arith.addi %mul3A_784, %add3A_1011 : vector<16xi32>
        %gather3A_1013 = tpu.vector_load_idx %arg5[%add3A_1012] : memref<98304xf32, #tpu.memory_space<vmem>>[vector<16xi32>], vector<16xf32>,
        %add3A_1014 = arith.addf %gather3A_1009, %gather3A_1013 : vector<16xf32>
        %add3A_1015 = arith.constant 11 : i32
        %add3A_1016 = vector.broadcast %add3A_1015 : i32 to vector<16xi32>
        %add3A_1017 = arith.addi %mul3A_796, %add3A_1016 : vector<16xi32>
        %gather3A_1018 = tpu.vector_load_idx %arg5[%add3A_1017] : memref<98304xf32, #tpu.memory_space<vmem>>[vector<16xi32>], vector<16xf32>,
        %add3A_1019 = arith.addf %add3A_1014, %gather3A_1018 : vector<16xf32>
        %add3A_1020 = arith.constant 2156 : i32
        %add3A_1021 = arith.addi %mul3A_60, %add3A_1020 : i32
        %add3A_1022 = arith.addi %add3A_1021, %mul3A_765 : i32
        %add3A_1023 = vector.broadcast %add3A_1022 : i32 to vector<16xi32>
        %add3A_1024 = arith.addi %iota3A, %add3A_1023 : vector<16xi32>
        tpu.vector_store_idx %arg7[%add3A_1024], %add3A_1019 : memref<12576xf32, #tpu.memory_space<vmem>>[vector<16xi32>], vector<16xf32>,
        %add3A_1025 = arith.constant 12 : i32
        %add3A_1026 = vector.broadcast %add3A_1025 : i32 to vector<16xi32>
        %add3A_1027 = arith.addi %mul3A_772, %add3A_1026 : vector<16xi32>
        %gather3A_1028 = tpu.vector_load_idx %arg5[%add3A_1027] : memref<98304xf32, #tpu.memory_space<vmem>>[vector<16xi32>], vector<16xf32>,
        %add3A_1029 = arith.constant 12 : i32
        %add3A_1030 = vector.broadcast %add3A_1029 : i32 to vector<16xi32>
        %add3A_1031 = arith.addi %mul3A_784, %add3A_1030 : vector<16xi32>
        %gather3A_1032 = tpu.vector_load_idx %arg5[%add3A_1031] : memref<98304xf32, #tpu.memory_space<vmem>>[vector<16xi32>], vector<16xf32>,
        %add3A_1033 = arith.addf %gather3A_1028, %gather3A_1032 : vector<16xf32>
        %add3A_1034 = arith.constant 12 : i32
        %add3A_1035 = vector.broadcast %add3A_1034 : i32 to vector<16xi32>
        %add3A_1036 = arith.addi %mul3A_796, %add3A_1035 : vector<16xi32>
        %gather3A_1037 = tpu.vector_load_idx %arg5[%add3A_1036] : memref<98304xf32, #tpu.memory_space<vmem>>[vector<16xi32>], vector<16xf32>,
        %add3A_1038 = arith.addf %add3A_1033, %gather3A_1037 : vector<16xf32>
        %add3A_1039 = arith.constant 2352 : i32
        %add3A_1040 = arith.addi %mul3A_60, %add3A_1039 : i32
        %add3A_1041 = arith.addi %add3A_1040, %mul3A_765 : i32
        %add3A_1042 = vector.broadcast %add3A_1041 : i32 to vector<16xi32>
        %add3A_1043 = arith.addi %iota3A, %add3A_1042 : vector<16xi32>
        tpu.vector_store_idx %arg7[%add3A_1043], %add3A_1038 : memref<12576xf32, #tpu.memory_space<vmem>>[vector<16xi32>], vector<16xf32>,
        %add3A_1044 = arith.constant 13 : i32
        %add3A_1045 = vector.broadcast %add3A_1044 : i32 to vector<16xi32>
        %add3A_1046 = arith.addi %mul3A_772, %add3A_1045 : vector<16xi32>
        %gather3A_1047 = tpu.vector_load_idx %arg5[%add3A_1046] : memref<98304xf32, #tpu.memory_space<vmem>>[vector<16xi32>], vector<16xf32>,
        %add3A_1048 = arith.constant 13 : i32
        %add3A_1049 = vector.broadcast %add3A_1048 : i32 to vector<16xi32>
        %add3A_1050 = arith.addi %mul3A_784, %add3A_1049 : vector<16xi32>
        %gather3A_1051 = tpu.vector_load_idx %arg5[%add3A_1050] : memref<98304xf32, #tpu.memory_space<vmem>>[vector<16xi32>], vector<16xf32>,
        %add3A_1052 = arith.addf %gather3A_1047, %gather3A_1051 : vector<16xf32>
        %add3A_1053 = arith.constant 13 : i32
        %add3A_1054 = vector.broadcast %add3A_1053 : i32 to vector<16xi32>
        %add3A_1055 = arith.addi %mul3A_796, %add3A_1054 : vector<16xi32>
        %gather3A_1056 = tpu.vector_load_idx %arg5[%add3A_1055] : memref<98304xf32, #tpu.memory_space<vmem>>[vector<16xi32>], vector<16xf32>,
        %add3A_1057 = arith.addf %add3A_1052, %gather3A_1056 : vector<16xf32>
        %add3A_1058 = arith.constant 2548 : i32
        %add3A_1059 = arith.addi %mul3A_60, %add3A_1058 : i32
        %add3A_1060 = arith.addi %add3A_1059, %mul3A_765 : i32
        %add3A_1061 = vector.broadcast %add3A_1060 : i32 to vector<16xi32>
        %add3A_1062 = arith.addi %iota3A, %add3A_1061 : vector<16xi32>
        tpu.vector_store_idx %arg7[%add3A_1062], %add3A_1057 : memref<12576xf32, #tpu.memory_space<vmem>>[vector<16xi32>], vector<16xf32>,
        %add3A_1063 = arith.constant 14 : i32
        %add3A_1064 = vector.broadcast %add3A_1063 : i32 to vector<16xi32>
        %add3A_1065 = arith.addi %mul3A_772, %add3A_1064 : vector<16xi32>
        %gather3A_1066 = tpu.vector_load_idx %arg5[%add3A_1065] : memref<98304xf32, #tpu.memory_space<vmem>>[vector<16xi32>], vector<16xf32>,
        %add3A_1067 = arith.constant 14 : i32
        %add3A_1068 = vector.broadcast %add3A_1067 : i32 to vector<16xi32>
        %add3A_1069 = arith.addi %mul3A_784, %add3A_1068 : vector<16xi32>
        %gather3A_1070 = tpu.vector_load_idx %arg5[%add3A_1069] : memref<98304xf32, #tpu.memory_space<vmem>>[vector<16xi32>], vector<16xf32>,
        %add3A_1071 = arith.addf %gather3A_1066, %gather3A_1070 : vector<16xf32>
        %add3A_1072 = arith.constant 14 : i32
        %add3A_1073 = vector.broadcast %add3A_1072 : i32 to vector<16xi32>
        %add3A_1074 = arith.addi %mul3A_796, %add3A_1073 : vector<16xi32>
        %gather3A_1075 = tpu.vector_load_idx %arg5[%add3A_1074] : memref<98304xf32, #tpu.memory_space<vmem>>[vector<16xi32>], vector<16xf32>,
        %add3A_1076 = arith.addf %add3A_1071, %gather3A_1075 : vector<16xf32>
        %add3A_1077 = arith.constant 2744 : i32
        %add3A_1078 = arith.addi %mul3A_60, %add3A_1077 : i32
        %add3A_1079 = arith.addi %add3A_1078, %mul3A_765 : i32
        %add3A_1080 = vector.broadcast %add3A_1079 : i32 to vector<16xi32>
        %add3A_1081 = arith.addi %iota3A, %add3A_1080 : vector<16xi32>
        tpu.vector_store_idx %arg7[%add3A_1081], %add3A_1076 : memref<12576xf32, #tpu.memory_space<vmem>>[vector<16xi32>], vector<16xf32>,
        %add3A_1082 = arith.constant 15 : i32
        %add3A_1083 = vector.broadcast %add3A_1082 : i32 to vector<16xi32>
        %add3A_1084 = arith.addi %mul3A_772, %add3A_1083 : vector<16xi32>
        %gather3A_1085 = tpu.vector_load_idx %arg5[%add3A_1084] : memref<98304xf32, #tpu.memory_space<vmem>>[vector<16xi32>], vector<16xf32>,
        %add3A_1086 = arith.constant 15 : i32
        %add3A_1087 = vector.broadcast %add3A_1086 : i32 to vector<16xi32>
        %add3A_1088 = arith.addi %mul3A_784, %add3A_1087 : vector<16xi32>
        %gather3A_1089 = tpu.vector_load_idx %arg5[%add3A_1088] : memref<98304xf32, #tpu.memory_space<vmem>>[vector<16xi32>], vector<16xf32>,
        %add3A_1090 = arith.addf %gather3A_1085, %gather3A_1089 : vector<16xf32>
        %add3A_1091 = arith.constant 15 : i32
        %add3A_1092 = vector.broadcast %add3A_1091 : i32 to vector<16xi32>
        %add3A_1093 = arith.addi %mul3A_796, %add3A_1092 : vector<16xi32>
        %gather3A_1094 = tpu.vector_load_idx %arg5[%add3A_1093] : memref<98304xf32, #tpu.memory_space<vmem>>[vector<16xi32>], vector<16xf32>,
        %add3A_1095 = arith.addf %add3A_1090, %gather3A_1094 : vector<16xf32>
        %add3A_1096 = arith.constant 2940 : i32
        %add3A_1097 = arith.addi %mul3A_60, %add3A_1096 : i32
        %add3A_1098 = arith.addi %add3A_1097, %mul3A_765 : i32
        %add3A_1099 = vector.broadcast %add3A_1098 : i32 to vector<16xi32>
        %add3A_1100 = arith.addi %iota3A, %add3A_1099 : vector<16xi32>
        tpu.vector_store_idx %arg7[%add3A_1100], %add3A_1095 : memref<12576xf32, #tpu.memory_space<vmem>>[vector<16xi32>], vector<16xf32>,
        %add3A_1101 = arith.constant 16 : i32
        %add3A_1102 = vector.broadcast %add3A_1101 : i32 to vector<16xi32>
        %add3A_1103 = arith.addi %mul3A_772, %add3A_1102 : vector<16xi32>
        %gather3A_1104 = tpu.vector_load_idx %arg5[%add3A_1103] : memref<98304xf32, #tpu.memory_space<vmem>>[vector<16xi32>], vector<16xf32>,
        %add3A_1105 = arith.constant 16 : i32
        %add3A_1106 = vector.broadcast %add3A_1105 : i32 to vector<16xi32>
        %add3A_1107 = arith.addi %mul3A_784, %add3A_1106 : vector<16xi32>
        %gather3A_1108 = tpu.vector_load_idx %arg5[%add3A_1107] : memref<98304xf32, #tpu.memory_space<vmem>>[vector<16xi32>], vector<16xf32>,
        %add3A_1109 = arith.addf %gather3A_1104, %gather3A_1108 : vector<16xf32>
        %add3A_1110 = arith.constant 16 : i32
        %add3A_1111 = vector.broadcast %add3A_1110 : i32 to vector<16xi32>
        %add3A_1112 = arith.addi %mul3A_796, %add3A_1111 : vector<16xi32>
        %gather3A_1113 = tpu.vector_load_idx %arg5[%add3A_1112] : memref<98304xf32, #tpu.memory_space<vmem>>[vector<16xi32>], vector<16xf32>,
        %add3A_1114 = arith.addf %add3A_1109, %gather3A_1113 : vector<16xf32>
        %add3A_1115 = arith.constant 3136 : i32
        %add3A_1116 = arith.addi %mul3A_60, %add3A_1115 : i32
        %add3A_1117 = arith.addi %add3A_1116, %mul3A_765 : i32
        %add3A_1118 = vector.broadcast %add3A_1117 : i32 to vector<16xi32>
        %add3A_1119 = arith.addi %iota3A, %add3A_1118 : vector<16xi32>
        tpu.vector_store_idx %arg7[%add3A_1119], %add3A_1114 : memref<12576xf32, #tpu.memory_space<vmem>>[vector<16xi32>], vector<16xf32>,
        %add3A_1120 = arith.constant 17 : i32
        %add3A_1121 = vector.broadcast %add3A_1120 : i32 to vector<16xi32>
        %add3A_1122 = arith.addi %mul3A_772, %add3A_1121 : vector<16xi32>
        %gather3A_1123 = tpu.vector_load_idx %arg5[%add3A_1122] : memref<98304xf32, #tpu.memory_space<vmem>>[vector<16xi32>], vector<16xf32>,
        %add3A_1124 = arith.constant 17 : i32
        %add3A_1125 = vector.broadcast %add3A_1124 : i32 to vector<16xi32>
        %add3A_1126 = arith.addi %mul3A_784, %add3A_1125 : vector<16xi32>
        %gather3A_1127 = tpu.vector_load_idx %arg5[%add3A_1126] : memref<98304xf32, #tpu.memory_space<vmem>>[vector<16xi32>], vector<16xf32>,
        %add3A_1128 = arith.addf %gather3A_1123, %gather3A_1127 : vector<16xf32>
        %add3A_1129 = arith.constant 17 : i32
        %add3A_1130 = vector.broadcast %add3A_1129 : i32 to vector<16xi32>
        %add3A_1131 = arith.addi %mul3A_796, %add3A_1130 : vector<16xi32>
        %gather3A_1132 = tpu.vector_load_idx %arg5[%add3A_1131] : memref<98304xf32, #tpu.memory_space<vmem>>[vector<16xi32>], vector<16xf32>,
        %add3A_1133 = arith.addf %add3A_1128, %gather3A_1132 : vector<16xf32>
        %add3A_1134 = arith.constant 3332 : i32
        %add3A_1135 = arith.addi %mul3A_60, %add3A_1134 : i32
        %add3A_1136 = arith.addi %add3A_1135, %mul3A_765 : i32
        %add3A_1137 = vector.broadcast %add3A_1136 : i32 to vector<16xi32>
        %add3A_1138 = arith.addi %iota3A, %add3A_1137 : vector<16xi32>
        tpu.vector_store_idx %arg7[%add3A_1138], %add3A_1133 : memref<12576xf32, #tpu.memory_space<vmem>>[vector<16xi32>], vector<16xf32>,
        %add3A_1139 = arith.constant 18 : i32
        %add3A_1140 = vector.broadcast %add3A_1139 : i32 to vector<16xi32>
        %add3A_1141 = arith.addi %mul3A_772, %add3A_1140 : vector<16xi32>
        %gather3A_1142 = tpu.vector_load_idx %arg5[%add3A_1141] : memref<98304xf32, #tpu.memory_space<vmem>>[vector<16xi32>], vector<16xf32>,
        %add3A_1143 = arith.constant 18 : i32
        %add3A_1144 = vector.broadcast %add3A_1143 : i32 to vector<16xi32>
        %add3A_1145 = arith.addi %mul3A_784, %add3A_1144 : vector<16xi32>
        %gather3A_1146 = tpu.vector_load_idx %arg5[%add3A_1145] : memref<98304xf32, #tpu.memory_space<vmem>>[vector<16xi32>], vector<16xf32>,
        %add3A_1147 = arith.addf %gather3A_1142, %gather3A_1146 : vector<16xf32>
        %add3A_1148 = arith.constant 18 : i32
        %add3A_1149 = vector.broadcast %add3A_1148 : i32 to vector<16xi32>
        %add3A_1150 = arith.addi %mul3A_796, %add3A_1149 : vector<16xi32>
        %gather3A_1151 = tpu.vector_load_idx %arg5[%add3A_1150] : memref<98304xf32, #tpu.memory_space<vmem>>[vector<16xi32>], vector<16xf32>,
        %add3A_1152 = arith.addf %add3A_1147, %gather3A_1151 : vector<16xf32>
        %add3A_1153 = arith.constant 3528 : i32
        %add3A_1154 = arith.addi %mul3A_60, %add3A_1153 : i32
        %add3A_1155 = arith.addi %add3A_1154, %mul3A_765 : i32
        %add3A_1156 = vector.broadcast %add3A_1155 : i32 to vector<16xi32>
        %add3A_1157 = arith.addi %iota3A, %add3A_1156 : vector<16xi32>
        tpu.vector_store_idx %arg7[%add3A_1157], %add3A_1152 : memref<12576xf32, #tpu.memory_space<vmem>>[vector<16xi32>], vector<16xf32>,
        %add3A_1158 = arith.constant 19 : i32
        %add3A_1159 = vector.broadcast %add3A_1158 : i32 to vector<16xi32>
        %add3A_1160 = arith.addi %mul3A_772, %add3A_1159 : vector<16xi32>
        %gather3A_1161 = tpu.vector_load_idx %arg5[%add3A_1160] : memref<98304xf32, #tpu.memory_space<vmem>>[vector<16xi32>], vector<16xf32>,
        %add3A_1162 = arith.constant 19 : i32
        %add3A_1163 = vector.broadcast %add3A_1162 : i32 to vector<16xi32>
        %add3A_1164 = arith.addi %mul3A_784, %add3A_1163 : vector<16xi32>
        %gather3A_1165 = tpu.vector_load_idx %arg5[%add3A_1164] : memref<98304xf32, #tpu.memory_space<vmem>>[vector<16xi32>], vector<16xf32>,
        %add3A_1166 = arith.addf %gather3A_1161, %gather3A_1165 : vector<16xf32>
        %add3A_1167 = arith.constant 19 : i32
        %add3A_1168 = vector.broadcast %add3A_1167 : i32 to vector<16xi32>
        %add3A_1169 = arith.addi %mul3A_796, %add3A_1168 : vector<16xi32>
        %gather3A_1170 = tpu.vector_load_idx %arg5[%add3A_1169] : memref<98304xf32, #tpu.memory_space<vmem>>[vector<16xi32>], vector<16xf32>,
        %add3A_1171 = arith.addf %add3A_1166, %gather3A_1170 : vector<16xf32>
        %add3A_1172 = arith.constant 3724 : i32
        %add3A_1173 = arith.addi %mul3A_60, %add3A_1172 : i32
        %add3A_1174 = arith.addi %add3A_1173, %mul3A_765 : i32
        %add3A_1175 = vector.broadcast %add3A_1174 : i32 to vector<16xi32>
        %add3A_1176 = arith.addi %iota3A, %add3A_1175 : vector<16xi32>
        tpu.vector_store_idx %arg7[%add3A_1176], %add3A_1171 : memref<12576xf32, #tpu.memory_space<vmem>>[vector<16xi32>], vector<16xf32>,
        %add3A_1177 = arith.constant 20 : i32
        %add3A_1178 = vector.broadcast %add3A_1177 : i32 to vector<16xi32>
        %add3A_1179 = arith.addi %mul3A_772, %add3A_1178 : vector<16xi32>
        %gather3A_1180 = tpu.vector_load_idx %arg5[%add3A_1179] : memref<98304xf32, #tpu.memory_space<vmem>>[vector<16xi32>], vector<16xf32>,
        %add3A_1181 = arith.constant 20 : i32
        %add3A_1182 = vector.broadcast %add3A_1181 : i32 to vector<16xi32>
        %add3A_1183 = arith.addi %mul3A_784, %add3A_1182 : vector<16xi32>
        %gather3A_1184 = tpu.vector_load_idx %arg5[%add3A_1183] : memref<98304xf32, #tpu.memory_space<vmem>>[vector<16xi32>], vector<16xf32>,
        %add3A_1185 = arith.addf %gather3A_1180, %gather3A_1184 : vector<16xf32>
        %add3A_1186 = arith.constant 20 : i32
        %add3A_1187 = vector.broadcast %add3A_1186 : i32 to vector<16xi32>
        %add3A_1188 = arith.addi %mul3A_796, %add3A_1187 : vector<16xi32>
        %gather3A_1189 = tpu.vector_load_idx %arg5[%add3A_1188] : memref<98304xf32, #tpu.memory_space<vmem>>[vector<16xi32>], vector<16xf32>,
        %add3A_1190 = arith.addf %add3A_1185, %gather3A_1189 : vector<16xf32>
        %add3A_1191 = arith.constant 3920 : i32
        %add3A_1192 = arith.addi %mul3A_60, %add3A_1191 : i32
        %add3A_1193 = arith.addi %add3A_1192, %mul3A_765 : i32
        %add3A_1194 = vector.broadcast %add3A_1193 : i32 to vector<16xi32>
        %add3A_1195 = arith.addi %iota3A, %add3A_1194 : vector<16xi32>
        tpu.vector_store_idx %arg7[%add3A_1195], %add3A_1190 : memref<12576xf32, #tpu.memory_space<vmem>>[vector<16xi32>], vector<16xf32>,
        %add3A_1196 = arith.constant 21 : i32
        %add3A_1197 = vector.broadcast %add3A_1196 : i32 to vector<16xi32>
        %add3A_1198 = arith.addi %mul3A_772, %add3A_1197 : vector<16xi32>
        %gather3A_1199 = tpu.vector_load_idx %arg5[%add3A_1198] : memref<98304xf32, #tpu.memory_space<vmem>>[vector<16xi32>], vector<16xf32>,
        %add3A_1200 = arith.constant 21 : i32
        %add3A_1201 = vector.broadcast %add3A_1200 : i32 to vector<16xi32>
        %add3A_1202 = arith.addi %mul3A_784, %add3A_1201 : vector<16xi32>
        %gather3A_1203 = tpu.vector_load_idx %arg5[%add3A_1202] : memref<98304xf32, #tpu.memory_space<vmem>>[vector<16xi32>], vector<16xf32>,
        %add3A_1204 = arith.addf %gather3A_1199, %gather3A_1203 : vector<16xf32>
        %add3A_1205 = arith.constant 21 : i32
        %add3A_1206 = vector.broadcast %add3A_1205 : i32 to vector<16xi32>
        %add3A_1207 = arith.addi %mul3A_796, %add3A_1206 : vector<16xi32>
        %gather3A_1208 = tpu.vector_load_idx %arg5[%add3A_1207] : memref<98304xf32, #tpu.memory_space<vmem>>[vector<16xi32>], vector<16xf32>,
        %add3A_1209 = arith.addf %add3A_1204, %gather3A_1208 : vector<16xf32>
        %add3A_1210 = arith.constant 4116 : i32
        %add3A_1211 = arith.addi %mul3A_60, %add3A_1210 : i32
        %add3A_1212 = arith.addi %add3A_1211, %mul3A_765 : i32
        %add3A_1213 = vector.broadcast %add3A_1212 : i32 to vector<16xi32>
        %add3A_1214 = arith.addi %iota3A, %add3A_1213 : vector<16xi32>
        tpu.vector_store_idx %arg7[%add3A_1214], %add3A_1209 : memref<12576xf32, #tpu.memory_space<vmem>>[vector<16xi32>], vector<16xf32>,
        %add3A_1215 = arith.constant 22 : i32
        %add3A_1216 = vector.broadcast %add3A_1215 : i32 to vector<16xi32>
        %add3A_1217 = arith.addi %mul3A_772, %add3A_1216 : vector<16xi32>
        %gather3A_1218 = tpu.vector_load_idx %arg5[%add3A_1217] : memref<98304xf32, #tpu.memory_space<vmem>>[vector<16xi32>], vector<16xf32>,
        %add3A_1219 = arith.constant 22 : i32
        %add3A_1220 = vector.broadcast %add3A_1219 : i32 to vector<16xi32>
        %add3A_1221 = arith.addi %mul3A_784, %add3A_1220 : vector<16xi32>
        %gather3A_1222 = tpu.vector_load_idx %arg5[%add3A_1221] : memref<98304xf32, #tpu.memory_space<vmem>>[vector<16xi32>], vector<16xf32>,
        %add3A_1223 = arith.addf %gather3A_1218, %gather3A_1222 : vector<16xf32>
        %add3A_1224 = arith.constant 22 : i32
        %add3A_1225 = vector.broadcast %add3A_1224 : i32 to vector<16xi32>
        %add3A_1226 = arith.addi %mul3A_796, %add3A_1225 : vector<16xi32>
        %gather3A_1227 = tpu.vector_load_idx %arg5[%add3A_1226] : memref<98304xf32, #tpu.memory_space<vmem>>[vector<16xi32>], vector<16xf32>,
        %add3A_1228 = arith.addf %add3A_1223, %gather3A_1227 : vector<16xf32>
        %add3A_1229 = arith.constant 4312 : i32
        %add3A_1230 = arith.addi %mul3A_60, %add3A_1229 : i32
        %add3A_1231 = arith.addi %add3A_1230, %mul3A_765 : i32
        %add3A_1232 = vector.broadcast %add3A_1231 : i32 to vector<16xi32>
        %add3A_1233 = arith.addi %iota3A, %add3A_1232 : vector<16xi32>
        tpu.vector_store_idx %arg7[%add3A_1233], %add3A_1228 : memref<12576xf32, #tpu.memory_space<vmem>>[vector<16xi32>], vector<16xf32>,
        %add3A_1234 = arith.constant 23 : i32
        %add3A_1235 = vector.broadcast %add3A_1234 : i32 to vector<16xi32>
        %add3A_1236 = arith.addi %mul3A_772, %add3A_1235 : vector<16xi32>
        %gather3A_1237 = tpu.vector_load_idx %arg5[%add3A_1236] : memref<98304xf32, #tpu.memory_space<vmem>>[vector<16xi32>], vector<16xf32>,
        %add3A_1238 = arith.constant 23 : i32
        %add3A_1239 = vector.broadcast %add3A_1238 : i32 to vector<16xi32>
        %add3A_1240 = arith.addi %mul3A_784, %add3A_1239 : vector<16xi32>
        %gather3A_1241 = tpu.vector_load_idx %arg5[%add3A_1240] : memref<98304xf32, #tpu.memory_space<vmem>>[vector<16xi32>], vector<16xf32>,
        %add3A_1242 = arith.addf %gather3A_1237, %gather3A_1241 : vector<16xf32>
        %add3A_1243 = arith.constant 23 : i32
        %add3A_1244 = vector.broadcast %add3A_1243 : i32 to vector<16xi32>
        %add3A_1245 = arith.addi %mul3A_796, %add3A_1244 : vector<16xi32>
        %gather3A_1246 = tpu.vector_load_idx %arg5[%add3A_1245] : memref<98304xf32, #tpu.memory_space<vmem>>[vector<16xi32>], vector<16xf32>,
        %add3A_1247 = arith.addf %add3A_1242, %gather3A_1246 : vector<16xf32>
        %add3A_1248 = arith.constant 4508 : i32
        %add3A_1249 = arith.addi %mul3A_60, %add3A_1248 : i32
        %add3A_1250 = arith.addi %add3A_1249, %mul3A_765 : i32
        %add3A_1251 = vector.broadcast %add3A_1250 : i32 to vector<16xi32>
        %add3A_1252 = arith.addi %iota3A, %add3A_1251 : vector<16xi32>
        tpu.vector_store_idx %arg7[%add3A_1252], %add3A_1247 : memref<12576xf32, #tpu.memory_space<vmem>>[vector<16xi32>], vector<16xf32>,
        %add3A_1253 = arith.constant 24 : i32
        %add3A_1254 = vector.broadcast %add3A_1253 : i32 to vector<16xi32>
        %add3A_1255 = arith.addi %mul3A_772, %add3A_1254 : vector<16xi32>
        %gather3A_1256 = tpu.vector_load_idx %arg5[%add3A_1255] : memref<98304xf32, #tpu.memory_space<vmem>>[vector<16xi32>], vector<16xf32>,
        %add3A_1257 = arith.constant 24 : i32
        %add3A_1258 = vector.broadcast %add3A_1257 : i32 to vector<16xi32>
        %add3A_1259 = arith.addi %mul3A_784, %add3A_1258 : vector<16xi32>
        %gather3A_1260 = tpu.vector_load_idx %arg5[%add3A_1259] : memref<98304xf32, #tpu.memory_space<vmem>>[vector<16xi32>], vector<16xf32>,
        %add3A_1261 = arith.addf %gather3A_1256, %gather3A_1260 : vector<16xf32>
        %add3A_1262 = arith.constant 24 : i32
        %add3A_1263 = vector.broadcast %add3A_1262 : i32 to vector<16xi32>
        %add3A_1264 = arith.addi %mul3A_796, %add3A_1263 : vector<16xi32>
        %gather3A_1265 = tpu.vector_load_idx %arg5[%add3A_1264] : memref<98304xf32, #tpu.memory_space<vmem>>[vector<16xi32>], vector<16xf32>,
        %add3A_1266 = arith.addf %add3A_1261, %gather3A_1265 : vector<16xf32>
        %add3A_1267 = arith.constant 4704 : i32
        %add3A_1268 = arith.addi %mul3A_60, %add3A_1267 : i32
        %add3A_1269 = arith.addi %add3A_1268, %mul3A_765 : i32
        %add3A_1270 = vector.broadcast %add3A_1269 : i32 to vector<16xi32>
        %add3A_1271 = arith.addi %iota3A, %add3A_1270 : vector<16xi32>
        tpu.vector_store_idx %arg7[%add3A_1271], %add3A_1266 : memref<12576xf32, #tpu.memory_space<vmem>>[vector<16xi32>], vector<16xf32>,
        %add3A_1272 = arith.constant 25 : i32
        %add3A_1273 = vector.broadcast %add3A_1272 : i32 to vector<16xi32>
        %add3A_1274 = arith.addi %mul3A_772, %add3A_1273 : vector<16xi32>
        %gather3A_1275 = tpu.vector_load_idx %arg5[%add3A_1274] : memref<98304xf32, #tpu.memory_space<vmem>>[vector<16xi32>], vector<16xf32>,
        %add3A_1276 = arith.constant 25 : i32
        %add3A_1277 = vector.broadcast %add3A_1276 : i32 to vector<16xi32>
        %add3A_1278 = arith.addi %mul3A_784, %add3A_1277 : vector<16xi32>
        %gather3A_1279 = tpu.vector_load_idx %arg5[%add3A_1278] : memref<98304xf32, #tpu.memory_space<vmem>>[vector<16xi32>], vector<16xf32>,
        %add3A_1280 = arith.addf %gather3A_1275, %gather3A_1279 : vector<16xf32>
        %add3A_1281 = arith.constant 25 : i32
        %add3A_1282 = vector.broadcast %add3A_1281 : i32 to vector<16xi32>
        %add3A_1283 = arith.addi %mul3A_796, %add3A_1282 : vector<16xi32>
        %gather3A_1284 = tpu.vector_load_idx %arg5[%add3A_1283] : memref<98304xf32, #tpu.memory_space<vmem>>[vector<16xi32>], vector<16xf32>,
        %add3A_1285 = arith.addf %add3A_1280, %gather3A_1284 : vector<16xf32>
        %add3A_1286 = arith.constant 4900 : i32
        %add3A_1287 = arith.addi %mul3A_60, %add3A_1286 : i32
        %add3A_1288 = arith.addi %add3A_1287, %mul3A_765 : i32
        %add3A_1289 = vector.broadcast %add3A_1288 : i32 to vector<16xi32>
        %add3A_1290 = arith.addi %iota3A, %add3A_1289 : vector<16xi32>
        tpu.vector_store_idx %arg7[%add3A_1290], %add3A_1285 : memref<12576xf32, #tpu.memory_space<vmem>>[vector<16xi32>], vector<16xf32>,
        %add3A_1291 = arith.constant 26 : i32
        %add3A_1292 = vector.broadcast %add3A_1291 : i32 to vector<16xi32>
        %add3A_1293 = arith.addi %mul3A_772, %add3A_1292 : vector<16xi32>
        %gather3A_1294 = tpu.vector_load_idx %arg5[%add3A_1293] : memref<98304xf32, #tpu.memory_space<vmem>>[vector<16xi32>], vector<16xf32>,
        %add3A_1295 = arith.constant 26 : i32
        %add3A_1296 = vector.broadcast %add3A_1295 : i32 to vector<16xi32>
        %add3A_1297 = arith.addi %mul3A_784, %add3A_1296 : vector<16xi32>
        %gather3A_1298 = tpu.vector_load_idx %arg5[%add3A_1297] : memref<98304xf32, #tpu.memory_space<vmem>>[vector<16xi32>], vector<16xf32>,
        %add3A_1299 = arith.addf %gather3A_1294, %gather3A_1298 : vector<16xf32>
        %add3A_1300 = arith.constant 26 : i32
        %add3A_1301 = vector.broadcast %add3A_1300 : i32 to vector<16xi32>
        %add3A_1302 = arith.addi %mul3A_796, %add3A_1301 : vector<16xi32>
        %gather3A_1303 = tpu.vector_load_idx %arg5[%add3A_1302] : memref<98304xf32, #tpu.memory_space<vmem>>[vector<16xi32>], vector<16xf32>,
        %add3A_1304 = arith.addf %add3A_1299, %gather3A_1303 : vector<16xf32>
        %add3A_1305 = arith.constant 5096 : i32
        %add3A_1306 = arith.addi %mul3A_60, %add3A_1305 : i32
        %add3A_1307 = arith.addi %add3A_1306, %mul3A_765 : i32
        %add3A_1308 = vector.broadcast %add3A_1307 : i32 to vector<16xi32>
        %add3A_1309 = arith.addi %iota3A, %add3A_1308 : vector<16xi32>
        tpu.vector_store_idx %arg7[%add3A_1309], %add3A_1304 : memref<12576xf32, #tpu.memory_space<vmem>>[vector<16xi32>], vector<16xf32>,
        %add3A_1310 = arith.constant 27 : i32
        %add3A_1311 = vector.broadcast %add3A_1310 : i32 to vector<16xi32>
        %add3A_1312 = arith.addi %mul3A_772, %add3A_1311 : vector<16xi32>
        %gather3A_1313 = tpu.vector_load_idx %arg5[%add3A_1312] : memref<98304xf32, #tpu.memory_space<vmem>>[vector<16xi32>], vector<16xf32>,
        %add3A_1314 = arith.constant 27 : i32
        %add3A_1315 = vector.broadcast %add3A_1314 : i32 to vector<16xi32>
        %add3A_1316 = arith.addi %mul3A_784, %add3A_1315 : vector<16xi32>
        %gather3A_1317 = tpu.vector_load_idx %arg5[%add3A_1316] : memref<98304xf32, #tpu.memory_space<vmem>>[vector<16xi32>], vector<16xf32>,
        %add3A_1318 = arith.addf %gather3A_1313, %gather3A_1317 : vector<16xf32>
        %add3A_1319 = arith.constant 27 : i32
        %add3A_1320 = vector.broadcast %add3A_1319 : i32 to vector<16xi32>
        %add3A_1321 = arith.addi %mul3A_796, %add3A_1320 : vector<16xi32>
        %gather3A_1322 = tpu.vector_load_idx %arg5[%add3A_1321] : memref<98304xf32, #tpu.memory_space<vmem>>[vector<16xi32>], vector<16xf32>,
        %add3A_1323 = arith.addf %add3A_1318, %gather3A_1322 : vector<16xf32>
        %add3A_1324 = arith.constant 5292 : i32
        %add3A_1325 = arith.addi %mul3A_60, %add3A_1324 : i32
        %add3A_1326 = arith.addi %add3A_1325, %mul3A_765 : i32
        %add3A_1327 = vector.broadcast %add3A_1326 : i32 to vector<16xi32>
        %add3A_1328 = arith.addi %iota3A, %add3A_1327 : vector<16xi32>
        tpu.vector_store_idx %arg7[%add3A_1328], %add3A_1323 : memref<12576xf32, #tpu.memory_space<vmem>>[vector<16xi32>], vector<16xf32>,
        %add3A_1329 = arith.constant 28 : i32
        %add3A_1330 = vector.broadcast %add3A_1329 : i32 to vector<16xi32>
        %add3A_1331 = arith.addi %mul3A_772, %add3A_1330 : vector<16xi32>
        %gather3A_1332 = tpu.vector_load_idx %arg5[%add3A_1331] : memref<98304xf32, #tpu.memory_space<vmem>>[vector<16xi32>], vector<16xf32>,
        %add3A_1333 = arith.constant 28 : i32
        %add3A_1334 = vector.broadcast %add3A_1333 : i32 to vector<16xi32>
        %add3A_1335 = arith.addi %mul3A_784, %add3A_1334 : vector<16xi32>
        %gather3A_1336 = tpu.vector_load_idx %arg5[%add3A_1335] : memref<98304xf32, #tpu.memory_space<vmem>>[vector<16xi32>], vector<16xf32>,
        %add3A_1337 = arith.addf %gather3A_1332, %gather3A_1336 : vector<16xf32>
        %add3A_1338 = arith.constant 28 : i32
        %add3A_1339 = vector.broadcast %add3A_1338 : i32 to vector<16xi32>
        %add3A_1340 = arith.addi %mul3A_796, %add3A_1339 : vector<16xi32>
        %gather3A_1341 = tpu.vector_load_idx %arg5[%add3A_1340] : memref<98304xf32, #tpu.memory_space<vmem>>[vector<16xi32>], vector<16xf32>,
        %add3A_1342 = arith.addf %add3A_1337, %gather3A_1341 : vector<16xf32>
        %add3A_1343 = arith.constant 5488 : i32
        %add3A_1344 = arith.addi %mul3A_60, %add3A_1343 : i32
        %add3A_1345 = arith.addi %add3A_1344, %mul3A_765 : i32
        %add3A_1346 = vector.broadcast %add3A_1345 : i32 to vector<16xi32>
        %add3A_1347 = arith.addi %iota3A, %add3A_1346 : vector<16xi32>
        tpu.vector_store_idx %arg7[%add3A_1347], %add3A_1342 : memref<12576xf32, #tpu.memory_space<vmem>>[vector<16xi32>], vector<16xf32>,
        %add3A_1348 = arith.constant 29 : i32
        %add3A_1349 = vector.broadcast %add3A_1348 : i32 to vector<16xi32>
        %add3A_1350 = arith.addi %mul3A_772, %add3A_1349 : vector<16xi32>
        %gather3A_1351 = tpu.vector_load_idx %arg5[%add3A_1350] : memref<98304xf32, #tpu.memory_space<vmem>>[vector<16xi32>], vector<16xf32>,
        %add3A_1352 = arith.constant 29 : i32
        %add3A_1353 = vector.broadcast %add3A_1352 : i32 to vector<16xi32>
        %add3A_1354 = arith.addi %mul3A_784, %add3A_1353 : vector<16xi32>
        %gather3A_1355 = tpu.vector_load_idx %arg5[%add3A_1354] : memref<98304xf32, #tpu.memory_space<vmem>>[vector<16xi32>], vector<16xf32>,
        %add3A_1356 = arith.addf %gather3A_1351, %gather3A_1355 : vector<16xf32>
        %add3A_1357 = arith.constant 29 : i32
        %add3A_1358 = vector.broadcast %add3A_1357 : i32 to vector<16xi32>
        %add3A_1359 = arith.addi %mul3A_796, %add3A_1358 : vector<16xi32>
        %gather3A_1360 = tpu.vector_load_idx %arg5[%add3A_1359] : memref<98304xf32, #tpu.memory_space<vmem>>[vector<16xi32>], vector<16xf32>,
        %add3A_1361 = arith.addf %add3A_1356, %gather3A_1360 : vector<16xf32>
        %add3A_1362 = arith.constant 5684 : i32
        %add3A_1363 = arith.addi %mul3A_60, %add3A_1362 : i32
        %add3A_1364 = arith.addi %add3A_1363, %mul3A_765 : i32
        %add3A_1365 = vector.broadcast %add3A_1364 : i32 to vector<16xi32>
        %add3A_1366 = arith.addi %iota3A, %add3A_1365 : vector<16xi32>
        tpu.vector_store_idx %arg7[%add3A_1366], %add3A_1361 : memref<12576xf32, #tpu.memory_space<vmem>>[vector<16xi32>], vector<16xf32>,
        %add3A_1367 = arith.constant 30 : i32
        %add3A_1368 = vector.broadcast %add3A_1367 : i32 to vector<16xi32>
        %add3A_1369 = arith.addi %mul3A_772, %add3A_1368 : vector<16xi32>
        %gather3A_1370 = tpu.vector_load_idx %arg5[%add3A_1369] : memref<98304xf32, #tpu.memory_space<vmem>>[vector<16xi32>], vector<16xf32>,
        %add3A_1371 = arith.constant 30 : i32
        %add3A_1372 = vector.broadcast %add3A_1371 : i32 to vector<16xi32>
        %add3A_1373 = arith.addi %mul3A_784, %add3A_1372 : vector<16xi32>
        %gather3A_1374 = tpu.vector_load_idx %arg5[%add3A_1373] : memref<98304xf32, #tpu.memory_space<vmem>>[vector<16xi32>], vector<16xf32>,
        %add3A_1375 = arith.addf %gather3A_1370, %gather3A_1374 : vector<16xf32>
        %add3A_1376 = arith.constant 30 : i32
        %add3A_1377 = vector.broadcast %add3A_1376 : i32 to vector<16xi32>
        %add3A_1378 = arith.addi %mul3A_796, %add3A_1377 : vector<16xi32>
        %gather3A_1379 = tpu.vector_load_idx %arg5[%add3A_1378] : memref<98304xf32, #tpu.memory_space<vmem>>[vector<16xi32>], vector<16xf32>,
        %add3A_1380 = arith.addf %add3A_1375, %gather3A_1379 : vector<16xf32>
        %add3A_1381 = arith.constant 5880 : i32
        %add3A_1382 = arith.addi %mul3A_60, %add3A_1381 : i32
        %add3A_1383 = arith.addi %add3A_1382, %mul3A_765 : i32
        %add3A_1384 = vector.broadcast %add3A_1383 : i32 to vector<16xi32>
        %add3A_1385 = arith.addi %iota3A, %add3A_1384 : vector<16xi32>
        tpu.vector_store_idx %arg7[%add3A_1385], %add3A_1380 : memref<12576xf32, #tpu.memory_space<vmem>>[vector<16xi32>], vector<16xf32>,
        %add3A_1386 = arith.constant 31 : i32
        %add3A_1387 = vector.broadcast %add3A_1386 : i32 to vector<16xi32>
        %add3A_1388 = arith.addi %mul3A_772, %add3A_1387 : vector<16xi32>
        %gather3A_1389 = tpu.vector_load_idx %arg5[%add3A_1388] : memref<98304xf32, #tpu.memory_space<vmem>>[vector<16xi32>], vector<16xf32>,
        %add3A_1390 = arith.constant 31 : i32
        %add3A_1391 = vector.broadcast %add3A_1390 : i32 to vector<16xi32>
        %add3A_1392 = arith.addi %mul3A_784, %add3A_1391 : vector<16xi32>
        %gather3A_1393 = tpu.vector_load_idx %arg5[%add3A_1392] : memref<98304xf32, #tpu.memory_space<vmem>>[vector<16xi32>], vector<16xf32>,
        %add3A_1394 = arith.addf %gather3A_1389, %gather3A_1393 : vector<16xf32>
        %add3A_1395 = arith.constant 31 : i32
        %add3A_1396 = vector.broadcast %add3A_1395 : i32 to vector<16xi32>
        %add3A_1397 = arith.addi %mul3A_796, %add3A_1396 : vector<16xi32>
        %gather3A_1398 = tpu.vector_load_idx %arg5[%add3A_1397] : memref<98304xf32, #tpu.memory_space<vmem>>[vector<16xi32>], vector<16xf32>,
        %add3A_1399 = arith.addf %add3A_1394, %gather3A_1398 : vector<16xf32>
        %add3A_1400 = arith.constant 6076 : i32
        %add3A_1401 = arith.addi %mul3A_60, %add3A_1400 : i32
        %add3A_1402 = arith.addi %add3A_1401, %mul3A_765 : i32
        %add3A_1403 = vector.broadcast %add3A_1402 : i32 to vector<16xi32>
        %add3A_1404 = arith.addi %iota3A, %add3A_1403 : vector<16xi32>
        tpu.vector_store_idx %arg7[%add3A_1404], %add3A_1399 : memref<12576xf32, #tpu.memory_space<vmem>>[vector<16xi32>], vector<16xf32>,
      }
      %scan3A_757 = arith.constant 12 : i32
      %mul3A_758 = arith.constant 6272 : i32
      %mul3A_759 = arith.muli %add3A_26, %mul3A_758 : i32
      %multiple_of3A = tpu.assume_multiple %mul3A_759, 8 : i32
      %dma_start3A = tpu.memref_slice %arg7[%mul3A_60] : memref<12576xf32, #tpu.memory_space<vmem>> -> memref<6272xf32, #tpu.memory_space<vmem>>
      %dma_start3A_760 = tpu.memref_slice %arg4[%multiple_of3A] : memref<25690112xf32, #tpu.memory_space<hbm>> -> memref<6272xf32, #tpu.memory_space<hbm>>
      %dma_start3A_761 = tpu.memref_slice %arg4[%multiple_of3A] : memref<25690112xf32, #tpu.memory_space<hbm>> -> memref<6272xf32, #tpu.memory_space<hbm>>
      %dma_start3A_762 = tpu.memref_slice %arg7[%mul3A_60] : memref<12576xf32, #tpu.memory_space<vmem>> -> memref<6272xf32, #tpu.memory_space<vmem>>
      tpu.enqueue_dma source(%dma_start3A_762 : memref<6272xf32, #tpu.memory_space<vmem>>) target(%dma_start3A_761 : memref<6272xf32, #tpu.memory_space<hbm>>) target_semaphore(%arg8 : memref<!tpu.dma_semaphore, #tpu.memory_space<semaphore_mem>>)
    }
    %scan3A_7 = arith.constant 128 : i32
    %dma_wait3A = arith.constant 0 : i32
    %dma_wait3A_8 = tpu.memref_slice %arg7[%dma_wait3A] : memref<12576xf32, #tpu.memory_space<vmem>> -> memref<6272xf32, #tpu.memory_space<vmem>>
    %dma_wait3A_9 = arith.constant 0 : i32
    %dma_wait3A_10 = tpu.memref_slice %arg4[%dma_wait3A_9] : memref<25690112xf32, #tpu.memory_space<hbm>> -> memref<6272xf32, #tpu.memory_space<hbm>>
    %dma_wait3A_11 = arith.constant 0 : i32
    %dma_wait3A_12 = tpu.memref_slice %arg4[%dma_wait3A_11] : memref<25690112xf32, #tpu.memory_space<hbm>> -> memref<6272xf32, #tpu.memory_space<hbm>>
    %dma_wait3A_13 = arith.constant 0 : i32
    %dma_wait3A_14 = tpu.memref_slice %arg7[%dma_wait3A_13] : memref<12576xf32, #tpu.memory_space<vmem>> -> memref<6272xf32, #tpu.memory_space<vmem>>
    tpu.wait_dma2 semaphore(%arg8 : memref<!tpu.dma_semaphore, #tpu.memory_space<semaphore_mem>>) src(%dma_wait3A_14 : memref<6272xf32, #tpu.memory_space<vmem>>) dst(%dma_wait3A_12 : memref<6272xf32, #tpu.memory_space<hbm>>)
    %dma_wait3A_15 = arith.constant 0 : i32
    %dma_wait3A_16 = tpu.memref_slice %arg7[%dma_wait3A_15] : memref<12576xf32, #tpu.memory_space<vmem>> -> memref<6272xf32, #tpu.memory_space<vmem>>
    %dma_wait3A_17 = arith.constant 0 : i32
    %dma_wait3A_18 = tpu.memref_slice %arg4[%dma_wait3A_17] : memref<25690112xf32, #tpu.memory_space<hbm>> -> memref<6272xf32, #tpu.memory_space<hbm>>
    %dma_wait3A_19 = arith.constant 0 : i32
    %dma_wait3A_20 = tpu.memref_slice %arg4[%dma_wait3A_19] : memref<25690112xf32, #tpu.memory_space<hbm>> -> memref<6272xf32, #tpu.memory_space<hbm>>
    %dma_wait3A_21 = arith.constant 0 : i32
    %dma_wait3A_22 = tpu.memref_slice %arg7[%dma_wait3A_21] : memref<12576xf32, #tpu.memory_space<vmem>> -> memref<6272xf32, #tpu.memory_space<vmem>>
    tpu.wait_dma2 semaphore(%arg8 : memref<!tpu.dma_semaphore, #tpu.memory_space<semaphore_mem>>) src(%dma_wait3A_22 : memref<6272xf32, #tpu.memory_space<vmem>>) dst(%dma_wait3A_20 : memref<6272xf32, #tpu.memory_space<hbm>>)
    return
  }
}

</mosaic_0001>

<sc_bundles>
// kernel: kernel.3.cloned.1.call-start
scs
__scs_entry_jumppad:
0x0: {  	(pc) =	sbr.rel $0x88, $3  }
0x1: {  	(tag) =	ssettag $0x0;
	lr =	simm.s32 $0x1  }
0x2: {  	[smem:$0x3F9F] =	sst lr;
	_ =	strace $0xD0000000  }
0x3: {  	_ = 	snop  }
0x4: {  	_ = 	snop  }
0x5: {  	_ = 	snop  }
0x6: {  	_ = 	snop  }
0x7: {  	_ = 	snop  }
__scs_overlays_trampoline_lowered:
0x8: {  	[smem:$0x3FAE] =	sst s0  }
0x9: {  	[smem:$0x3FAF] =	sst s1  }
0xa: {  	[smem:$0x3FB0] =	sst s2  }
0xb: {  	[smem:$0x3FB1] =	sst s3  }
0xc: {  	[smem:$0x3FB2] =	sst s4  }
0xd: {  	[smem:$0x3FB3] =	sst s5  }
0xe: {  	[smem:$0x3FB4] =	sst s6  }
0xf: {  	[smem:$0x3FB5] =	sst s7  }
0x10: {  	[smem:$0x3FB6] =	sst s8  }
0x11: {  	[smem:$0x3FB7] =	sst s9;
	s0 =	simm.s32 @!p0 $0x0  }
0x12: {  	s1 =	sld [smem:$0x3F9D];
	s0 =	simm.s32 @p0 $0x1  }
0x13: {  	[smem:$0x3FB8] =	sst s0;
	s0 =	simm.s32 @!p1 $0x0  }
0x14: {  	s2 =	sld [smem:$0x3F9C];
	s0 =	simm.s32 @p1 $0x1  }
0x15: {  	[smem:$0x3FB9] =	sst s0;
	s0 =	simm.s32 @!p2 $0x0  }
0x16: {  	s3 =	sld [smem:$0x3FDB];
	s0 =	simm.s32 @p2 $0x1  }
0x17: {  	s4 =	simm.s32 $0x1BF5;
	[smem:$0x3FBB] =	sst s0  }
0x18: {  	s0 =	sld [smem:$0x3F9E];
	_ =	swait.ge [sflag:s4], $0x0  }
0x19: {  	s7 =	sld [smem:$0x3F9F]  }
0x1a: {  	s8 =	sadd.s32 $0xFFFFE003, lr  }
0x1b: {  	s9 =	sadd.s32 $0xFFFFFEF7, lr;
	s5 =	simm.s32 $0xFFFFFFFF;
	p2 =	slt.u32 s8, $0xFFFFF086  }
0x1c: {  	p1 =	slt.u32 s9, $0xF7A;
	s5 =	simm.s32 @!p2 $0x0  }
0x1d: {  	s5 =	simm.s32 @p1 $0x1;
	p0 =	seq.s32 s7, s2  }
0x1e: {  	s7 =	smul.u32 @!p0 $0xF7A, s2;
	p2 =	seq.s32 @!p0 s5, $0x0  }
0x1f: {  	s9 =	smul.u32 $0xF7A, s1;
	s8 =	simm.s32 @!p0 $0x1BF5;
	p2 =	por !p2, p0  }
0x20: {  	[sflag:s8] =	ssyncset.s32 @!p0 $0xFFFFF086;
	s6 =	sadd.s32 @!p0 s3, s7;
	s7 =	simm.s32 @!p0 $0x108  }
0x21: {  	s3 =	sadd.s32 s3, s9;
	s6 =	sadd.s32 @!p0 $0x88, s6;
	s7 =	simm.s32 @p2 $0x1082  }
0x22: {  	[simem:s7], [sflag:s8] =	dma.local @!p0 [hbm:s6], $0xF7A  }
0x23: {  	s9 =	sor.u32 $0xD0000000, s2;
	s6 =	simm.s32 $0x108;
	_ =	swait.ge @!p0 [sflag:s8], $0x0  }
0x24: {  	s3 =	sadd.s32 $0x88, s3;
	s6 =	simm.s32 @!p1 $0x1082;
	[sflag:s4] =	ssyncset.s32 $0xFFFFF086  }
0x25: {  	[simem:s6], [sflag:s4] =	dma.local [hbm:s3], $0xF7A  }
0x26: {  	[smem:$0x3F9F] =	sst s1;
	(tag) =	ssettag s2;
	_ =	strace s9  }
0x27: {  	s1 =	sld [smem:$0x3FAF]  }
0x28: {  	s2 =	sld [smem:$0x3FB0]  }
0x29: {  	s4 =	sld [smem:$0x3FB2]  }
0x2a: {  	p0 =	seq.s32 s5, $0x0;
	s5 =	sld [smem:$0x3FB3]  }
0x2b: {  	s6 =	sld [smem:$0x3FB4]  }
0x2c: {  	s7 =	sld [smem:$0x3FB5]  }
0x2d: {  	s3 =	simm.s32 $0x108;
	s8 =	sld [smem:$0x3FB6]  }
0x2e: {  	s3 =	simm.s32 @!p0 $0x1082;
	s9 =	sld [smem:$0x3FB7]  }
0x2f: {  	lr =	sadd.s32 s0, s3;
	s0 =	sld [smem:$0x3FAE]  }
0x30: {  	s3 =	sld [smem:$0x3FB1]  }
0x31: {  	[smem:$0x3FBA] =	sst s10  }
0x32: {  	s10 =	sld [smem:$0x3FB8];
	_ =	sdelay $0x3  }
0x33: {  	p0 =	seq.s32 s10, $0x1;
	s10 =	sld [smem:$0x3FBA];
	_ =	sdelay $0x3  }
0x34: {  	[smem:$0x3FBA] =	sst s10  }
0x35: {  	s10 =	sld [smem:$0x3FB9];
	_ =	sdelay $0x3  }
0x36: {  	p1 =	seq.s32 s10, $0x1;
	s10 =	sld [smem:$0x3FBA];
	_ =	sdelay $0x3  }
0x37: {  	[smem:$0x3FBA] =	sst s10  }
0x38: {  	s10 =	sld [smem:$0x3FBB]  }
0x39: {  	_ = 	snop;
	(pc) =	sbr.ind lr, $3  }
0x3a: {  	_ = 	snop  }
0x3b: {  	_ = 	snop  }
0x3c: {  	p2 =	seq.s32 s10, $0x1;
	s10 =	sld [smem:$0x3FBA]  }
0x3d: {  	_ =	shalt  }
0x3e: {  	_ =	shalt  }
0x3f: {  	_ =	shalt  }
0x40: {  	_ =	shalt  }
0x41: {  	_ =	shalt  }
0x42: {  	_ =	shalt  }
0x43: {  	_ =	shalt  }
0x44: {  	_ =	shalt  }
0x45: {  	_ =	shalt  }
0x46: {  	_ =	shalt  }
0x47: {  	_ =	shalt  }
0x48: {  	_ =	shalt  }
0x49: {  	_ =	shalt  }
0x4a: {  	_ =	shalt  }
0x4b: {  	_ =	shalt  }
0x4c: {  	_ =	shalt  }
0x4d: {  	_ =	shalt  }
0x4e: {  	_ =	shalt  }
0x4f: {  	_ =	shalt  }
0x50: {  	_ =	shalt  }
0x51: {  	_ =	shalt  }
0x52: {  	_ =	shalt  }
0x53: {  	_ =	shalt  }
0x54: {  	_ =	shalt  }
0x55: {  	_ =	shalt  }
0x56: {  	_ =	shalt  }
0x57: {  	_ =	shalt  }
0x58: {  	_ =	shalt  }
0x59: {  	_ =	shalt  }
0x5a: {  	_ =	shalt  }
0x5b: {  	_ =	shalt  }
0x5c: {  	_ =	shalt  }
0x5d: {  	_ =	shalt  }
0x5e: {  	_ =	shalt  }
0x5f: {  	_ =	shalt  }
0x60: {  	_ =	shalt  }
0x61: {  	_ =	shalt  }
0x62: {  	_ =	shalt  }
0x63: {  	_ =	shalt  }
0x64: {  	_ =	shalt  }
0x65: {  	_ =	shalt  }
0x66: {  	_ =	shalt  }
0x67: {  	_ =	shalt  }
0x68: {  	_ =	shalt  }
0x69: {  	_ =	shalt  }
0x6a: {  	_ =	shalt  }
0x6b: {  	_ =	shalt  }
0x6c: {  	_ =	shalt  }
0x6d: {  	_ =	shalt  }
0x6e: {  	_ =	shalt  }
0x6f: {  	_ =	shalt  }
0x70: {  	_ =	shalt  }
0x71: {  	_ =	shalt  }
0x72: {  	_ =	shalt  }
0x73: {  	_ =	shalt  }
0x74: {  	_ =	shalt  }
0x75: {  	_ =	shalt  }
0x76: {  	_ =	shalt  }
0x77: {  	_ =	shalt  }
0x78: {  	_ =	shalt  }
0x79: {  	_ =	shalt  }
0x7a: {  	_ =	shalt  }
0x7b: {  	_ =	shalt  }
0x7c: {  	_ =	shalt  }
0x7d: {  	_ =	shalt  }
0x7e: {  	_ =	shalt  }
0x7f: {  	_ =	shalt  }
0x80: {  	_ =	shalt  }
0x81: {  	_ =	shalt  }
0x82: {  	_ =	shalt  }
0x83: {  	_ =	shalt  }
0x84: {  	_ =	shalt  }
0x85: {  	_ =	shalt  }
0x86: {  	_ =	shalt  }
0x87: {  	_ =	shalt  }
.Lfunc_end0:
.L_simem_size_0:
called_computation.1_lowered:
.L_overlay_start_0:
0x88: {  	s2 =	sld [smem:$0x3FD9]  }
0x89: {  	s3 =	sld [smem:$0x3FFE];
	_ =	sdelay $0x1  }
0x8a: {  	s1 =	srdreg.scid  }
0x8b: {  	s0 =	sand.u32 $0x1, s1  }
0x8c: {  	s17 =	sshll.u32 s0, $0xA;
	s2 =	sadd.s32 s3, s2  }
0x8d: {  	s2 =	sadd.s32 s2, s17  }
0x8e: {  	[smem:$0x3FC6] =	sst s2  }
0x8f: {  	_ = 	snop  }
0x90: {  	s2 =	sld [smem:$0x3FD0];
	(tm) =	ssettm $0x1  }
0x91: {  	s18 =	sld [smem:$0x3FFB];
	_ =	sdelay $0x3  }
0x92: {  	_ =	strace s18  }
0x93: {  	s3 =	sld [smem:$0x3FFC];
	_ =	sdelay $0x3  }
0x94: {  	_ =	strace s3  }
0x95: {  	s3 =	sld [smem:$0x3FFD];
	_ =	sdelay $0x3  }
0x96: {  	_ =	strace s3  }
0x97: {  	_ =	strace $0x8FFFFFFF  }
0x98: {  	s19 =	sld [smem:$0x3FDB];
	_ =	sdelay $0x1  }
0x99: {  	s4 =	simm.s32 $_scs_section_size  }
0x9a: {  	s5 =	simm.s32 $_size__tile_overlayer_lowered;
	s6 =	simm.s32 $_tile_overlayer_lowered  }
0x9b: {  	s22 =	simm.s32 $0x1BFF;
	s21 =	sshll.u32 s6, $0x1;
	s3 =	sadd.s32 s4, s19  }
0x9c: {  	s7 =	simm.s32 $0x0;
	s20 =	sshll.u32 s5, $0x1;
	s5 =	sadd.s32 s21, s3  }
0x9d: {  	[timem:s7], [sflag:s22] =	dma.local [hbm:s5], s20  }
0x9e: {  	_ =	swait.ge [sflag:s22], s20  }
0x9f: {  	s4 =	ssub.s32 $0x0, s20;
	[sflag:s22] =	ssyncset.done $0x0  }
0xa0: {  	[sflag:s22] =	ssyncadd.s32 s4;
	_ =	sdelay $0x1  }
0xa1: {  	s23 =	simm.s32 $0x1B8B  }
0xa2: {  	_ =	swait.ge [sflag:s23], $0x1  }
0xa3: {  	[sflag:s23] =	ssyncset.done $0x0  }
0xa4: {  	s25 =	simm.s32 $0x1B8E;
	s24 =	sld [smem:$0x3FFE];
	[sflag:s23] =	ssyncadd.s32 $0xFFFFFFFF  }
0xa5: {  	s26 =	simm.s32 $execute0_lowered;
	[smem:$0x3FD2] =	sst s25  }
0xa6: {  	s5 =	sshll.u32 s26, $0x1;
	_ =	strace $0x80000046;
	[dreg:$0x1] =	wrdreg $0xFFFFFFFF  }
0xa7: {  	s28 =	simm.s32 $_size_execute0_lowered;
	s3 =	sadd.s32 s3, s5;
	[dreg:$0x0] =	wrdreg $0x0  }
0xa8: {  	s5 =	sshll.u32 s28, $0x1;
	[dreg:$0x2] =	wrdreg s3  }
0xa9: {  	[dreg:$0x3] =	wrdreg s5  }
0xaa: {  	[dreg:$0x4] =	wrdreg $0xC0  }
0xab: {  	_ =	task [dreg:s7], $0x5FFFF  }
0xac: {  	[dreg:$0x1] =	wrdreg $0xFFFFFFFF  }
0xad: {  	[dreg:$0x0] =	wrdreg $0x60  }
0xae: {  	[dreg:$0x2] =	wrdreg s24  }
0xaf: {  	[dreg:$0x3] =	wrdreg s2  }
0xb0: {  	[dreg:$0x4] =	wrdreg $0x9  }
0xb1: {  	_ =	task.clear_ibuf [dreg:s7], $0x5FFFF;
	_ =	strace $0x90000046  }
0xb2: {  	s29 =	simm.s32 $0x9;
	_ =	strace $0x80000048  }
0xb3: {  	_ =	swait.ge [sflag:s29], $0x1  }
0xb4: {  	[sflag:s29] =	ssyncadd.s32 $0xFFFFFFFF  }
0xb5: {  	_ =	strace $0x90000048  }
0xb6: {  	_ =	sfence  }
0xb7: {  	s30 =	sld [smem:$0x0];
	_ =	sdelay $0x2  }
0xb8: {  	s31 =	sshll.u32 s1, $0xD;
	s1 =	sshrl.u32 s1, $0x2  }
0xb9: {  	s3 =	sand.u32 $0x4000, s31;
	s1 =	sadd.s32 s1, s30  }
0xba: {  	s0 =	sor.u32 s3, s0;
	s1 =	sshll.u32 s1, $0x11  }
0xbb: {  	s0 =	sor.u32 s1, s0  }
0xbc: {  	s0 =	sadd.s32 $0x8F2B, s0  }
0xbd: {  	[sflag:s0] =	ssyncadd.remote.s32 $0x1  }
0xbe: {  	_ =	sfence.sel $0xFFFF  }
0xbf: {  	[dreg:$0x0] =	wrdreg $0xFFFFFFFF;
	(pc) =	sbr.abs _section_cstart, $3  }
0xc0: {  	[dreg:$0x1] =	wrdreg $0xFFFFFFFF  }
0xc1: {  	_ =	task.clear_ibuf [dreg:s7], $0x2FFFF;
	_ =	strace $0x9FFFFFFF  }
0xc2: {  	(tm) =	ssettm $0x7FFFFFFF  }
0xc3: {  	_ =	shalt  }
tec
execute0_lowered:
.L_overlay_start_1:
0x0: {  	(tag) =	ssettag $0x1  }
0x1: {  	s5 =	rddreg [dreg:$0x0]  }
0x2: {  	s1 =	rddreg [dreg:$0x1]  }
0x3: {  	s0 =	rddreg [dreg:$0x2];
	s2 =	simm.s32 $0x0;
	s3 =	srdreg.scid  }
0x4: {  	s10 =	simm.s32 $0x19280;
	s11 =	simm.s32 $0x1;
	s12 =	simm.s32 $0x0  }
0x5: {  	[smem:$0x7FF] =	sst s2;
	s6 =	sand.u32 $0x1, s3;
	s4 =	sadd.s32 $0x800, s5  }
0x6: {  	s3 =	stileid.u32;
	s5 =	sadd.s32 $0x3800, s5;
	s7 =	ssub.s32 $0x2, s6  }
0x7: {  	s9 =	sshll.u32 s3, $0x8;
	s6 =	sshll.u32 s6, $0x7;
	s8 =	sshrl.u32 s7, $0x1  }
0x8: {  	_ =	strace $0x80000047;
	s6 =	sor.u32 s6, s9;
	s7 =	ssub.s32 s7, s8  }
0x9: {  	v0 =	vimm.s32 $0x0;
	v1 =	vlaneseq.u32;
	s9 =	simm.s32 $0x18000;
	s8 =	simm.s32 $0x2;
	s7 =	smax.u32 s7, $0x1  }
.LBB2_1:
0xa: {  	[tilespmem:s2], [sflag:$0x2] =	stream.linear.gather [hbm4b:s4+s2], $0x18000, $0x38;
	[tilespmem:$0x1C400] =	vst v63  }
0xb: {  	_ =	swait.ge [sflag:s8], $0x18000  }
0xc: {  	[sflag:s8] =	ssyncset.done $0x0  }
0xd: {  	[sflag:s8] =	ssyncadd.s32 $0xFFFE8000  }
0xe: {  	s13 =	simm.s32 $0x0;
	s14 =	simm.s32 $0x0;
	[tilespmem:$0x19260] =	vst v0  }
.LBB2_2:
0xf: {  	s16 =	sand.u32 $0x7, s14  }
0x10: {  	s15 =	sadd.s32 s6, s14;
	p0 =	sne.s32 s16, $0x0  }
0x11: {  	s17 =	smul.u32 @!p0 $0x24C, s15;
	_ =	sdelay $0x1  }
0x12: {  	s17 =	sshrl.u32 @!p0 s17, $0x3  }
0x13: {  	s18 =	simm.s32 @!p0 $0x0;
	s19 =	simm.s32 @!p0 $0x18000;
	s17 =	sadd.s32 @!p0 s5, s17  }
0x14: {  	[tilespmem:s19], [sflag:$0x2] =	stream.linear.gather @!p0 [hbm4b:s17+s18], $0x1260, $0x38;
	[tilespmem:$0x1C400] =	vst v63  }
0x15: {  	s19 =	sand.u32 $0x7, s13  }
0x16: {  	s17 =	smul.u32 $0x24C, s19  }
0x17: {  	s16 =	smul.u32 $0x24C, s16  }
0x18: {  	[dreg:$0x3] =	wrdreg s17;
	s17 =	simm.s32 @!p0 $0x2  }
0x19: {  	s20 =	sadd.s32 $0xC0, s16;
	_ =	swait.ge @!p0 [sflag:s17], $0x1260  }
0x1a: {  	p1 =	slt.u32 s14, $0x2;
	s21 =	sadd.s32 $0x184, s16;
	v2 =	vadd.s32 s20, v1;
	[sflag:s17] =	ssyncset.done @!p0 $0x0  }
0x1b: {  	v3 =	vadd.s32 s21, v1;
	[sflag:s17] =	ssyncadd.s32 @!p0 $0xFFFFEDA0;
	s17 =	simm.s32 @!p1 $0x1  }
0x1c: {  	s16 =	sadd.s32 $0x248, s16;
	_ =	swait.ge @!p1 [sflag:s17], $0x1880  }
0x1d: {  	v4 =	vadd.s32 s16, v1;
	[sflag:s17] =	ssyncset.done @!p1 $0x0  }
0x1e: {  	[sflag:s17] =	ssyncadd.s32 @!p1 $0xFFFFE780  }
0x1f: {  	v2 =	vld.idx.msk [tilespmem:v2+s9+$0x0], $0xffff  }
0x20: {  	v3 =	vld.idx.msk [tilespmem:v3+s9+$0x0], $0xffff;
	_ =	sdelay $0x1  }
0x21: {  	v4 =	vld.idx.msk [tilespmem:v4+s9+$0x0], $0xffff;
	_ =	sdelay $0x2  }
0x22: {  	v2 =	vshll.u32 v2, $0x5;
	v3 =	vshll.u32 v3, $0x5  }
0x23: {  	v5 =	vadd.s32 $0x8000, v3  }
0x24: {  	v4 =	vshll.u32 v4, $0x5  }
0x25: {  	v6 =	vadd.s32 $0x10000, v4  }
0x26: {  	s16 =	simm.s32 $0x0  }
0x27: {  	v7 =	vld.idx.msk [tilespmem:v2+s16+$0x0], $0xffff  }
0x28: {  	s22 =	sand.u32 $0x1, s14;
	v5 =	vld.idx.msk [tilespmem:v5+s16+$0x0], $0xffff  }
0x29: {  	p0 =	seq.s32 s22, $0x1;
	s17 =	simm.s32 $0x1890  }
0x2a: {  	s17 =	simm.s32 @!p0 $0x0;
	v6 =	vld.idx.msk [tilespmem:v6+s16+$0x0], $0xffff  }
0x2b: {  	s23 =	sadd.s32 $0xC0, s17  }
0x2c: {  	v8 =	vor.u32 s23, v1  }
0x2d: {  	v18 =	vor.u32 $0x1, v2;
	v5 =	vadd.f32 v5, v7  }
0x2e: {  	v9 =	vadd.s32 $0x8001, v3  }
0x2f: {  	v5 =	vadd.f32 v6, v5  }
0x30: {  	v19 =	vadd.s32 $0x10001, v4  }
0x31: {  	[tilespmem:v8+s10+$0x0] =	vst.idx.msk $0xffff, v5  }
0x32: {  	v5 =	vld.idx.msk [tilespmem:v18+s16+$0x0], $0xffff  }
0x33: {  	v20 =	vld.idx.msk [tilespmem:v9+s16+$0x0], $0xffff;
	_ =	sdelay $0x1  }
0x34: {  	v6 =	vld.idx.msk [tilespmem:v19+s16+$0x0], $0xffff  }
0x35: {  	s24 =	sadd.s32 $0x184, s17  }
0x36: {  	v21 =	vadd.s32 s24, v1  }
0x37: {  	v22 =	vor.u32 $0x2, v2;
	v5 =	vadd.f32 v20, v5  }
0x38: {  	v23 =	vadd.s32 $0x8002, v3  }
0x39: {  	v5 =	vadd.f32 v6, v5  }
0x3a: {  	v24 =	vadd.s32 $0x10002, v4  }
0x3b: {  	[tilespmem:v21+s10+$0x0] =	vst.idx.msk $0xffff, v5  }
0x3c: {  	v5 =	vld.idx.msk [tilespmem:v22+s16+$0x0], $0xffff  }
0x3d: {  	v25 =	vld.idx.msk [tilespmem:v23+s16+$0x0], $0xffff;
	_ =	sdelay $0x1  }
0x3e: {  	v6 =	vld.idx.msk [tilespmem:v24+s16+$0x0], $0xffff  }
0x3f: {  	s25 =	sor.u32 $0x248, s17  }
0x40: {  	v26 =	vadd.s32 s25, v1  }
0x41: {  	v27 =	vor.u32 $0x3, v2;
	v5 =	vadd.f32 v25, v5  }
0x42: {  	v28 =	vadd.s32 $0x8003, v3  }
0x43: {  	v5 =	vadd.f32 v6, v5  }
0x44: {  	v29 =	vadd.s32 $0x10003, v4  }
0x45: {  	[tilespmem:v26+s10+$0x0] =	vst.idx.msk $0xffff, v5  }
0x46: {  	v5 =	vld.idx.msk [tilespmem:v27+s16+$0x0], $0xffff  }
0x47: {  	v30 =	vld.idx.msk [tilespmem:v28+s16+$0x0], $0xffff;
	_ =	sdelay $0x1  }
0x48: {  	v6 =	vld.idx.msk [tilespmem:v29+s16+$0x0], $0xffff  }
0x49: {  	s26 =	sor.u32 $0x30C, s17  }
0x4a: {  	v31 =	vadd.s32 s26, v1  }
0x4b: {  	v32 =	vor.u32 $0x4, v2;
	v5 =	vadd.f32 v30, v5  }
0x4c: {  	v33 =	vadd.s32 $0x8004, v3  }
0x4d: {  	v5 =	vadd.f32 v6, v5  }
0x4e: {  	v34 =	vadd.s32 $0x10004, v4  }
0x4f: {  	[tilespmem:v31+s10+$0x0] =	vst.idx.msk $0xffff, v5  }
0x50: {  	v5 =	vld.idx.msk [tilespmem:v32+s16+$0x0], $0xffff  }
0x51: {  	v35 =	vld.idx.msk [tilespmem:v33+s16+$0x0], $0xffff;
	_ =	sdelay $0x1  }
0x52: {  	v6 =	vld.idx.msk [tilespmem:v34+s16+$0x0], $0xffff  }
0x53: {  	s28 =	sadd.s32 $0x3D0, s17  }
0x54: {  	v36 =	vor.u32 s28, v1  }
0x55: {  	v37 =	vor.u32 $0x5, v2;
	v5 =	vadd.f32 v35, v5  }
0x56: {  	v38 =	vadd.s32 $0x8005, v3  }
0x57: {  	v5 =	vadd.f32 v6, v5  }
0x58: {  	v39 =	vadd.s32 $0x10005, v4  }
0x59: {  	[tilespmem:v36+s10+$0x0] =	vst.idx.msk $0xffff, v5  }
0x5a: {  	v5 =	vld.idx.msk [tilespmem:v37+s16+$0x0], $0xffff  }
0x5b: {  	v40 =	vld.idx.msk [tilespmem:v38+s16+$0x0], $0xffff;
	_ =	sdelay $0x1  }
0x5c: {  	v6 =	vld.idx.msk [tilespmem:v39+s16+$0x0], $0xffff  }
0x5d: {  	s29 =	sadd.s32 $0x494, s17  }
0x5e: {  	v41 =	vadd.s32 s29, v1  }
0x5f: {  	v42 =	vor.u32 $0x6, v2;
	v5 =	vadd.f32 v40, v5  }
0x60: {  	v43 =	vadd.s32 $0x8006, v3  }
0x61: {  	v5 =	vadd.f32 v6, v5  }
0x62: {  	v44 =	vadd.s32 $0x10006, v4  }
0x63: {  	[tilespmem:v41+s10+$0x0] =	vst.idx.msk $0xffff, v5  }
0x64: {  	v5 =	vld.idx.msk [tilespmem:v42+s16+$0x0], $0xffff  }
0x65: {  	v45 =	vld.idx.msk [tilespmem:v43+s16+$0x0], $0xffff;
	_ =	sdelay $0x1  }
0x66: {  	v6 =	vld.idx.msk [tilespmem:v44+s16+$0x0], $0xffff  }
0x67: {  	s30 =	sadd.s32 $0x558, s17  }
0x68: {  	v46 =	vadd.s32 s30, v1  }
0x69: {  	v47 =	vor.u32 $0x7, v2;
	v5 =	vadd.f32 v45, v5  }
0x6a: {  	v48 =	vadd.s32 $0x8007, v3  }
0x6b: {  	v5 =	vadd.f32 v6, v5  }
0x6c: {  	v49 =	vadd.s32 $0x10007, v4  }
0x6d: {  	[tilespmem:v46+s10+$0x0] =	vst.idx.msk $0xffff, v5  }
0x6e: {  	v5 =	vld.idx.msk [tilespmem:v47+s16+$0x0], $0xffff  }
0x6f: {  	v50 =	vld.idx.msk [tilespmem:v48+s16+$0x0], $0xffff;
	_ =	sdelay $0x1  }
0x70: {  	v6 =	vld.idx.msk [tilespmem:v49+s16+$0x0], $0xffff  }
0x71: {  	s31 =	sadd.s32 $0x61C, s17  }
0x72: {  	v51 =	vadd.s32 s31, v1  }
0x73: {  	v52 =	vor.u32 $0x8, v2;
	v5 =	vadd.f32 v50, v5  }
0x74: {  	v53 =	vadd.s32 $0x8008, v3  }
0x75: {  	v5 =	vadd.f32 v6, v5  }
0x76: {  	v54 =	vadd.s32 $0x10008, v4  }
0x77: {  	[tilespmem:v51+s10+$0x0] =	vst.idx.msk $0xffff, v5  }
0x78: {  	v5 =	vld.idx.msk [tilespmem:v52+s16+$0x0], $0xffff  }
0x79: {  	v55 =	vld.idx.msk [tilespmem:v53+s16+$0x0], $0xffff;
	_ =	sdelay $0x1  }
0x7a: {  	v6 =	vld.idx.msk [tilespmem:v54+s16+$0x0], $0xffff  }
0x7b: {  	s19 =	sadd.s32 $0x6E0, s17  }
0x7c: {  	v56 =	vor.u32 s19, v1  }
0x7d: {  	v57 =	vor.u32 $0x9, v2;
	v5 =	vadd.f32 v55, v5  }
0x7e: {  	v58 =	vadd.s32 $0x8009, v3  }
0x7f: {  	v5 =	vadd.f32 v6, v5  }
0x80: {  	v59 =	vadd.s32 $0x10009, v4  }
0x81: {  	[tilespmem:v56+s10+$0x0] =	vst.idx.msk $0xffff, v5  }
0x82: {  	v5 =	vld.idx.msk [tilespmem:v57+s16+$0x0], $0xffff  }
0x83: {  	v60 =	vld.idx.msk [tilespmem:v58+s16+$0x0], $0xffff;
	_ =	sdelay $0x1  }
0x84: {  	v6 =	vld.idx.msk [tilespmem:v59+s16+$0x0], $0xffff  }
0x85: {  	s20 =	sadd.s32 $0x7A4, s17  }
0x86: {  	v61 =	vadd.s32 s20, v1  }
0x87: {  	v62 =	vor.u32 $0xA, v2;
	v5 =	vadd.f32 v60, v5  }
0x88: {  	v63 =	vadd.s32 $0x800A, v3  }
0x89: {  	v5 =	vadd.f32 v6, v5  }
0x8a: {  	v12 =	vadd.s32 $0x1000A, v4  }
0x8b: {  	[tilespmem:v61+s10+$0x0] =	vst.idx.msk $0xffff, v5  }
0x8c: {  	v5 =	vld.idx.msk [tilespmem:v62+s16+$0x0], $0xffff  }
0x8d: {  	v13 =	vld.idx.msk [tilespmem:v63+s16+$0x0], $0xffff;
	_ =	sdelay $0x1  }
0x8e: {  	v6 =	vld.idx.msk [tilespmem:v12+s16+$0x0], $0xffff  }
0x8f: {  	s21 =	sadd.s32 $0x868, s17  }
0x90: {  	v14 =	vadd.s32 s21, v1  }
0x91: {  	v15 =	vor.u32 $0xB, v2;
	v5 =	vadd.f32 v13, v5  }
0x92: {  	v16 =	vadd.s32 $0x800B, v3  }
0x93: {  	v5 =	vadd.f32 v6, v5  }
0x94: {  	v17 =	vadd.s32 $0x1000B, v4  }
0x95: {  	[tilespmem:v14+s10+$0x0] =	vst.idx.msk $0xffff, v5  }
0x96: {  	v5 =	vld.idx.msk [tilespmem:v15+s16+$0x0], $0xffff  }
0x97: {  	v18 =	vld.idx.msk [tilespmem:v16+s16+$0x0], $0xffff;
	_ =	sdelay $0x1  }
0x98: {  	v6 =	vld.idx.msk [tilespmem:v17+s16+$0x0], $0xffff  }
0x99: {  	s22 =	sadd.s32 $0x92C, s17  }
0x9a: {  	v19 =	vadd.s32 s22, v1  }
0x9b: {  	v20 =	vor.u32 $0xC, v2;
	v5 =	vadd.f32 v18, v5  }
0x9c: {  	v21 =	vadd.s32 $0x800C, v3  }
0x9d: {  	v5 =	vadd.f32 v6, v5  }
0x9e: {  	v22 =	vadd.s32 $0x1000C, v4  }
0x9f: {  	[tilespmem:v19+s10+$0x0] =	vst.idx.msk $0xffff, v5  }
0xa0: {  	v5 =	vld.idx.msk [tilespmem:v20+s16+$0x0], $0xffff  }
0xa1: {  	v23 =	vld.idx.msk [tilespmem:v21+s16+$0x0], $0xffff;
	_ =	sdelay $0x1  }
0xa2: {  	v6 =	vld.idx.msk [tilespmem:v22+s16+$0x0], $0xffff  }
0xa3: {  	s23 =	sadd.s32 $0x9F0, s17  }
0xa4: {  	v24 =	vor.u32 s23, v1  }
0xa5: {  	v25 =	vor.u32 $0xD, v2;
	v5 =	vadd.f32 v23, v5  }
0xa6: {  	v26 =	vadd.s32 $0x800D, v3  }
0xa7: {  	v5 =	vadd.f32 v6, v5  }
0xa8: {  	v27 =	vadd.s32 $0x1000D, v4  }
0xa9: {  	[tilespmem:v24+s10+$0x0] =	vst.idx.msk $0xffff, v5  }
0xaa: {  	v5 =	vld.idx.msk [tilespmem:v25+s16+$0x0], $0xffff  }
0xab: {  	v28 =	vld.idx.msk [tilespmem:v26+s16+$0x0], $0xffff;
	_ =	sdelay $0x1  }
0xac: {  	v6 =	vld.idx.msk [tilespmem:v27+s16+$0x0], $0xffff  }
0xad: {  	s24 =	sadd.s32 $0xAB4, s17  }
0xae: {  	v29 =	vadd.s32 s24, v1  }
0xaf: {  	v30 =	vor.u32 $0xE, v2;
	v5 =	vadd.f32 v28, v5  }
0xb0: {  	v31 =	vadd.s32 $0x800E, v3  }
0xb1: {  	v5 =	vadd.f32 v6, v5  }
0xb2: {  	v32 =	vadd.s32 $0x1000E, v4  }
0xb3: {  	[tilespmem:v29+s10+$0x0] =	vst.idx.msk $0xffff, v5  }
0xb4: {  	v5 =	vld.idx.msk [tilespmem:v30+s16+$0x0], $0xffff  }
0xb5: {  	v33 =	vld.idx.msk [tilespmem:v31+s16+$0x0], $0xffff;
	_ =	sdelay $0x1  }
0xb6: {  	v6 =	vld.idx.msk [tilespmem:v32+s16+$0x0], $0xffff  }
0xb7: {  	s25 =	sadd.s32 $0xB78, s17  }
0xb8: {  	v34 =	vadd.s32 s25, v1  }
0xb9: {  	v35 =	vor.u32 $0xF, v2;
	v5 =	vadd.f32 v33, v5  }
0xba: {  	v36 =	vadd.s32 $0x800F, v3  }
0xbb: {  	v5 =	vadd.f32 v6, v5  }
0xbc: {  	v37 =	vadd.s32 $0x1000F, v4  }
0xbd: {  	[tilespmem:v34+s10+$0x0] =	vst.idx.msk $0xffff, v5  }
0xbe: {  	v5 =	vld.idx.msk [tilespmem:v35+s16+$0x0], $0xffff  }
0xbf: {  	v38 =	vld.idx.msk [tilespmem:v36+s16+$0x0], $0xffff;
	_ =	sdelay $0x1  }
0xc0: {  	v6 =	vld.idx.msk [tilespmem:v37+s16+$0x0], $0xffff  }
0xc1: {  	s26 =	sadd.s32 $0xC3C, s17  }
0xc2: {  	v39 =	vadd.s32 s26, v1  }
0xc3: {  	v40 =	vor.u32 $0x10, v2;
	v5 =	vadd.f32 v38, v5  }
0xc4: {  	v41 =	vadd.s32 $0x8010, v3  }
0xc5: {  	v5 =	vadd.f32 v6, v5  }
0xc6: {  	v42 =	vadd.s32 $0x10010, v4  }
0xc7: {  	[tilespmem:v39+s10+$0x0] =	vst.idx.msk $0xffff, v5  }
0xc8: {  	v5 =	vld.idx.msk [tilespmem:v40+s16+$0x0], $0xffff  }
0xc9: {  	v43 =	vld.idx.msk [tilespmem:v41+s16+$0x0], $0xffff;
	_ =	sdelay $0x1  }
0xca: {  	v6 =	vld.idx.msk [tilespmem:v42+s16+$0x0], $0xffff  }
0xcb: {  	s28 =	sadd.s32 $0xD00, s17  }
0xcc: {  	v44 =	vor.u32 s28, v1  }
0xcd: {  	v45 =	vor.u32 $0x11, v2;
	v5 =	vadd.f32 v43, v5  }
0xce: {  	v46 =	vadd.s32 $0x8011, v3  }
0xcf: {  	v5 =	vadd.f32 v6, v5  }
0xd0: {  	v47 =	vadd.s32 $0x10011, v4  }
0xd1: {  	[tilespmem:v44+s10+$0x0] =	vst.idx.msk $0xffff, v5  }
0xd2: {  	v5 =	vld.idx.msk [tilespmem:v45+s16+$0x0], $0xffff  }
0xd3: {  	v48 =	vld.idx.msk [tilespmem:v46+s16+$0x0], $0xffff;
	_ =	sdelay $0x1  }
0xd4: {  	v6 =	vld.idx.msk [tilespmem:v47+s16+$0x0], $0xffff  }
0xd5: {  	s29 =	sadd.s32 $0xDC4, s17  }
0xd6: {  	v49 =	vadd.s32 s29, v1  }
0xd7: {  	v50 =	vor.u32 $0x12, v2;
	v5 =	vadd.f32 v48, v5  }
0xd8: {  	v51 =	vadd.s32 $0x8012, v3  }
0xd9: {  	v5 =	vadd.f32 v6, v5  }
0xda: {  	v52 =	vadd.s32 $0x10012, v4  }
0xdb: {  	[tilespmem:v49+s10+$0x0] =	vst.idx.msk $0xffff, v5  }
0xdc: {  	v5 =	vld.idx.msk [tilespmem:v50+s16+$0x0], $0xffff  }
0xdd: {  	v53 =	vld.idx.msk [tilespmem:v51+s16+$0x0], $0xffff;
	_ =	sdelay $0x1  }
0xde: {  	v6 =	vld.idx.msk [tilespmem:v52+s16+$0x0], $0xffff  }
0xdf: {  	s30 =	sadd.s32 $0xE88, s17  }
0xe0: {  	v54 =	vadd.s32 s30, v1  }
0xe1: {  	v55 =	vor.u32 $0x13, v2;
	v5 =	vadd.f32 v53, v5  }
0xe2: {  	v56 =	vadd.s32 $0x8013, v3  }
0xe3: {  	v5 =	vadd.f32 v6, v5  }
0xe4: {  	v57 =	vadd.s32 $0x10013, v4  }
0xe5: {  	[tilespmem:v54+s10+$0x0] =	vst.idx.msk $0xffff, v5  }
0xe6: {  	v5 =	vld.idx.msk [tilespmem:v55+s16+$0x0], $0xffff  }
0xe7: {  	v58 =	vld.idx.msk [tilespmem:v56+s16+$0x0], $0xffff;
	_ =	sdelay $0x1  }
0xe8: {  	v6 =	vld.idx.msk [tilespmem:v57+s16+$0x0], $0xffff  }
0xe9: {  	s31 =	sadd.s32 $0xF4C, s17  }
0xea: {  	v59 =	vadd.s32 s31, v1  }
0xeb: {  	v60 =	vor.u32 $0x14, v2;
	v5 =	vadd.f32 v58, v5  }
0xec: {  	v61 =	vadd.s32 $0x8014, v3  }
0xed: {  	v5 =	vadd.f32 v6, v5  }
0xee: {  	v62 =	vadd.s32 $0x10014, v4  }
0xef: {  	[tilespmem:v59+s10+$0x0] =	vst.idx.msk $0xffff, v5  }
0xf0: {  	v5 =	vld.idx.msk [tilespmem:v60+s16+$0x0], $0xffff  }
0xf1: {  	v63 =	vld.idx.msk [tilespmem:v61+s16+$0x0], $0xffff;
	_ =	sdelay $0x1  }
0xf2: {  	v6 =	vld.idx.msk [tilespmem:v62+s16+$0x0], $0xffff  }
0xf3: {  	s19 =	sadd.s32 $0x1010, s17  }
0xf4: {  	v12 =	vor.u32 s19, v1  }
0xf5: {  	v13 =	vor.u32 $0x15, v2;
	v5 =	vadd.f32 v63, v5  }
0xf6: {  	v14 =	vadd.s32 $0x8015, v3  }
0xf7: {  	v5 =	vadd.f32 v6, v5  }
0xf8: {  	v15 =	vadd.s32 $0x10015, v4  }
0xf9: {  	[tilespmem:v12+s10+$0x0] =	vst.idx.msk $0xffff, v5  }
0xfa: {  	v5 =	vld.idx.msk [tilespmem:v13+s16+$0x0], $0xffff  }
0xfb: {  	v16 =	vld.idx.msk [tilespmem:v14+s16+$0x0], $0xffff;
	_ =	sdelay $0x1  }
0xfc: {  	v6 =	vld.idx.msk [tilespmem:v15+s16+$0x0], $0xffff  }
0xfd: {  	s20 =	sadd.s32 $0x10D4, s17  }
0xfe: {  	v17 =	vadd.s32 s20, v1  }
0xff: {  	v18 =	vor.u32 $0x16, v2;
	v5 =	vadd.f32 v16, v5  }
0x100: {  	v19 =	vadd.s32 $0x8016, v3  }
0x101: {  	v5 =	vadd.f32 v6, v5  }
0x102: {  	v20 =	vadd.s32 $0x10016, v4  }
0x103: {  	[tilespmem:v17+s10+$0x0] =	vst.idx.msk $0xffff, v5  }
0x104: {  	v5 =	vld.idx.msk [tilespmem:v18+s16+$0x0], $0xffff  }
0x105: {  	v21 =	vld.idx.msk [tilespmem:v19+s16+$0x0], $0xffff;
	_ =	sdelay $0x1  }
0x106: {  	v6 =	vld.idx.msk [tilespmem:v20+s16+$0x0], $0xffff  }
0x107: {  	s21 =	sadd.s32 $0x1198, s17  }
0x108: {  	v22 =	vadd.s32 s21, v1  }
0x109: {  	v23 =	vor.u32 $0x17, v2;
	v5 =	vadd.f32 v21, v5  }
0x10a: {  	v24 =	vadd.s32 $0x8017, v3  }
0x10b: {  	v5 =	vadd.f32 v6, v5  }
0x10c: {  	v25 =	vadd.s32 $0x10017, v4  }
0x10d: {  	[tilespmem:v22+s10+$0x0] =	vst.idx.msk $0xffff, v5  }
0x10e: {  	v5 =	vld.idx.msk [tilespmem:v23+s16+$0x0], $0xffff  }
0x10f: {  	v26 =	vld.idx.msk [tilespmem:v24+s16+$0x0], $0xffff;
	_ =	sdelay $0x1  }
0x110: {  	v6 =	vld.idx.msk [tilespmem:v25+s16+$0x0], $0xffff  }
0x111: {  	s22 =	sadd.s32 $0x125C, s17  }
0x112: {  	v27 =	vadd.s32 s22, v1  }
0x113: {  	v28 =	vor.u32 $0x18, v2;
	v5 =	vadd.f32 v26, v5  }
0x114: {  	v29 =	vadd.s32 $0x8018, v3  }
0x115: {  	v5 =	vadd.f32 v6, v5  }
0x116: {  	v30 =	vadd.s32 $0x10018, v4  }
0x117: {  	[tilespmem:v27+s10+$0x0] =	vst.idx.msk $0xffff, v5  }
0x118: {  	v5 =	vld.idx.msk [tilespmem:v28+s16+$0x0], $0xffff  }
0x119: {  	v31 =	vld.idx.msk [tilespmem:v29+s16+$0x0], $0xffff;
	_ =	sdelay $0x1  }
0x11a: {  	v6 =	vld.idx.msk [tilespmem:v30+s16+$0x0], $0xffff  }
0x11b: {  	s23 =	sadd.s32 $0x1320, s17  }
0x11c: {  	v32 =	vor.u32 s23, v1  }
0x11d: {  	v33 =	vor.u32 $0x19, v2;
	v5 =	vadd.f32 v31, v5  }
0x11e: {  	v34 =	vadd.s32 $0x8019, v3  }
0x11f: {  	v5 =	vadd.f32 v6, v5  }
0x120: {  	v35 =	vadd.s32 $0x10019, v4  }
0x121: {  	[tilespmem:v32+s10+$0x0] =	vst.idx.msk $0xffff, v5  }
0x122: {  	v5 =	vld.idx.msk [tilespmem:v33+s16+$0x0], $0xffff  }
0x123: {  	v36 =	vld.idx.msk [tilespmem:v34+s16+$0x0], $0xffff;
	_ =	sdelay $0x1  }
0x124: {  	v6 =	vld.idx.msk [tilespmem:v35+s16+$0x0], $0xffff  }
0x125: {  	s24 =	sadd.s32 $0x13E4, s17  }
0x126: {  	v37 =	vadd.s32 s24, v1  }
0x127: {  	v38 =	vor.u32 $0x1A, v2;
	v5 =	vadd.f32 v36, v5  }
0x128: {  	v39 =	vadd.s32 $0x801A, v3  }
0x129: {  	v5 =	vadd.f32 v6, v5  }
0x12a: {  	v40 =	vadd.s32 $0x1001A, v4  }
0x12b: {  	[tilespmem:v37+s10+$0x0] =	vst.idx.msk $0xffff, v5  }
0x12c: {  	v5 =	vld.idx.msk [tilespmem:v38+s16+$0x0], $0xffff  }
0x12d: {  	v41 =	vld.idx.msk [tilespmem:v39+s16+$0x0], $0xffff;
	_ =	sdelay $0x1  }
0x12e: {  	v6 =	vld.idx.msk [tilespmem:v40+s16+$0x0], $0xffff  }
0x12f: {  	s25 =	sadd.s32 $0x14A8, s17  }
0x130: {  	v42 =	vadd.s32 s25, v1  }
0x131: {  	v43 =	vor.u32 $0x1B, v2;
	v5 =	vadd.f32 v41, v5  }
0x132: {  	v44 =	vadd.s32 $0x801B, v3  }
0x133: {  	v5 =	vadd.f32 v6, v5  }
0x134: {  	v45 =	vadd.s32 $0x1001B, v4  }
0x135: {  	[tilespmem:v42+s10+$0x0] =	vst.idx.msk $0xffff, v5  }
0x136: {  	v5 =	vld.idx.msk [tilespmem:v43+s16+$0x0], $0xffff  }
0x137: {  	v46 =	vld.idx.msk [tilespmem:v44+s16+$0x0], $0xffff;
	_ =	sdelay $0x1  }
0x138: {  	v6 =	vld.idx.msk [tilespmem:v45+s16+$0x0], $0xffff  }
0x139: {  	s26 =	sadd.s32 $0x156C, s17  }
0x13a: {  	v47 =	vadd.s32 s26, v1  }
0x13b: {  	v48 =	vor.u32 $0x1C, v2;
	v5 =	vadd.f32 v46, v5  }
0x13c: {  	v49 =	vadd.s32 $0x801C, v3  }
0x13d: {  	v5 =	vadd.f32 v6, v5  }
0x13e: {  	v50 =	vadd.s32 $0x1001C, v4  }
0x13f: {  	[tilespmem:v47+s10+$0x0] =	vst.idx.msk $0xffff, v5  }
0x140: {  	v5 =	vld.idx.msk [tilespmem:v48+s16+$0x0], $0xffff  }
0x141: {  	v51 =	vld.idx.msk [tilespmem:v49+s16+$0x0], $0xffff;
	_ =	sdelay $0x1  }
0x142: {  	v6 =	vld.idx.msk [tilespmem:v50+s16+$0x0], $0xffff  }
0x143: {  	s28 =	sadd.s32 $0x1630, s17  }
0x144: {  	v52 =	vor.u32 s28, v1  }
0x145: {  	v53 =	vor.u32 $0x1D, v2;
	v5 =	vadd.f32 v51, v5  }
0x146: {  	v54 =	vadd.s32 $0x801D, v3  }
0x147: {  	v5 =	vadd.f32 v6, v5  }
0x148: {  	v55 =	vadd.s32 $0x1001D, v4  }
0x149: {  	[tilespmem:v52+s10+$0x0] =	vst.idx.msk $0xffff, v5  }
0x14a: {  	v5 =	vld.idx.msk [tilespmem:v53+s16+$0x0], $0xffff  }
0x14b: {  	v56 =	vld.idx.msk [tilespmem:v54+s16+$0x0], $0xffff;
	_ =	sdelay $0x1  }
0x14c: {  	v6 =	vld.idx.msk [tilespmem:v55+s16+$0x0], $0xffff  }
0x14d: {  	s29 =	sadd.s32 $0x16F4, s17  }
0x14e: {  	v57 =	vadd.s32 s29, v1  }
0x14f: {  	v58 =	vor.u32 $0x1E, v2;
	v5 =	vadd.f32 v56, v5  }
0x150: {  	v59 =	vadd.s32 $0x801E, v3  }
0x151: {  	v5 =	vadd.f32 v6, v5  }
0x152: {  	v60 =	vadd.s32 $0x1001E, v4  }
0x153: {  	[tilespmem:v57+s10+$0x0] =	vst.idx.msk $0xffff, v5  }
0x154: {  	v5 =	vld.idx.msk [tilespmem:v58+s16+$0x0], $0xffff  }
0x155: {  	v61 =	vld.idx.msk [tilespmem:v59+s16+$0x0], $0xffff;
	_ =	sdelay $0x1  }
0x156: {  	v6 =	vld.idx.msk [tilespmem:v60+s16+$0x0], $0xffff  }
0x157: {  	s30 =	sadd.s32 $0x17B8, s17  }
0x158: {  	v62 =	vadd.s32 s30, v1  }
0x159: {  	v2 =	vor.u32 $0x1F, v2;
	v5 =	vadd.f32 v61, v5  }
0x15a: {  	v3 =	vadd.s32 $0x801F, v3  }
0x15b: {  	v5 =	vadd.f32 v6, v5  }
0x15c: {  	v4 =	vadd.s32 $0x1001F, v4  }
0x15d: {  	[tilespmem:v62+s10+$0x0] =	vst.idx.msk $0xffff, v5  }
0x15e: {  	v2 =	vld.idx.msk [tilespmem:v2+s16+$0x0], $0xffff  }
0x15f: {  	v3 =	vld.idx.msk [tilespmem:v3+s16+$0x0], $0xffff;
	_ =	sdelay $0x1  }
0x160: {  	v4 =	vld.idx.msk [tilespmem:v4+s16+$0x0], $0xffff  }
0x161: {  	s31 =	sadd.s32 $0x187C, s17  }
0x162: {  	v63 =	vadd.s32 s31, v1  }
0x163: {  	v2 =	vadd.f32 v3, v2;
	_ =	sdelay $0x1  }
0x164: {  	v2 =	vadd.f32 v4, v2;
	_ =	sdelay $0x1  }
0x165: {  	[tilespmem:v63+s10+$0x0] =	vst.idx.msk $0xffff, v2  }
.LBB2_3:
0x166: {  	s18 =	rddreg [dreg:$0x3]  }
0x167: {  	s18 =	sadd.s32 s16, s18  }
0x168: {  	v2 =	vadd.s32 s18, v1;
	s19 =	sadd.s32 $0xC4, s18  }
0x169: {  	v3 =	vadd.s32 s19, v1  }
0x16a: {  	s18 =	sadd.s32 $0x188, s18  }
0x16b: {  	v4 =	vadd.s32 s18, v1;
	_ =	sdelay $0x1  }
0x16c: {  	v2 =	vld.idx.msk [tilespmem:v2+s9+$0x0], $0xffff  }
0x16d: {  	v3 =	vld.idx.msk [tilespmem:v3+s9+$0x0], $0xffff;
	_ =	sdelay $0x1  }
0x16e: {  	v4 =	vld.idx.msk [tilespmem:v4+s9+$0x0], $0xffff;
	_ =	sdelay $0x2  }
0x16f: {  	v2 =	vshll.u32 v2, $0x5;
	v3 =	vshll.u32 v3, $0x5  }
0x170: {  	v5 =	vadd.s32 $0x8000, v3  }
0x171: {  	v4 =	vshll.u32 v4, $0x5  }
0x172: {  	v6 =	vadd.s32 $0x10000, v4;
	_ =	sdelay $0x1  }
0x173: {  	v7 =	vld.idx.msk [tilespmem:v2+s2+$0x0], $0xffff  }
0x174: {  	v5 =	vld.idx.msk [tilespmem:v5+s2+$0x0], $0xffff;
	_ =	sdelay $0x1  }
0x175: {  	v6 =	vld.idx.msk [tilespmem:v6+s2+$0x0], $0xffff  }
0x176: {  	s18 =	sadd.s32 s16, s17  }
0x177: {  	v8 =	vor.u32 s18, v1  }
0x178: {  	v18 =	vor.u32 $0x1, v2;
	v5 =	vadd.f32 v5, v7  }
0x179: {  	v9 =	vadd.s32 $0x8001, v3  }
0x17a: {  	v5 =	vadd.f32 v6, v5  }
0x17b: {  	v19 =	vadd.s32 $0x10001, v4  }
0x17c: {  	[tilespmem:v8+s10+$0x0] =	vst.idx.msk $0xffff, v5  }
0x17d: {  	v5 =	vld.idx.msk [tilespmem:v18+s2+$0x0], $0xffff  }
0x17e: {  	v20 =	vld.idx.msk [tilespmem:v9+s2+$0x0], $0xffff;
	_ =	sdelay $0x1  }
0x17f: {  	v6 =	vld.idx.msk [tilespmem:v19+s2+$0x0], $0xffff  }
0x180: {  	s23 =	sadd.s32 $0xC4, s18  }
0x181: {  	v21 =	vadd.s32 s23, v1  }
0x182: {  	v22 =	vor.u32 $0x2, v2;
	v5 =	vadd.f32 v20, v5  }
0x183: {  	v23 =	vadd.s32 $0x8002, v3  }
0x184: {  	v5 =	vadd.f32 v6, v5  }
0x185: {  	v24 =	vadd.s32 $0x10002, v4  }
0x186: {  	[tilespmem:v21+s10+$0x0] =	vst.idx.msk $0xffff, v5  }
0x187: {  	v5 =	vld.idx.msk [tilespmem:v22+s2+$0x0], $0xffff  }
0x188: {  	v25 =	vld.idx.msk [tilespmem:v23+s2+$0x0], $0xffff;
	_ =	sdelay $0x1  }
0x189: {  	v6 =	vld.idx.msk [tilespmem:v24+s2+$0x0], $0xffff  }
0x18a: {  	s24 =	sadd.s32 $0x188, s18  }
0x18b: {  	v26 =	vadd.s32 s24, v1  }
0x18c: {  	v27 =	vor.u32 $0x3, v2;
	v5 =	vadd.f32 v25, v5  }
0x18d: {  	v28 =	vadd.s32 $0x8003, v3  }
0x18e: {  	v5 =	vadd.f32 v6, v5  }
0x18f: {  	v29 =	vadd.s32 $0x10003, v4  }
0x190: {  	[tilespmem:v26+s10+$0x0] =	vst.idx.msk $0xffff, v5  }
0x191: {  	v5 =	vld.idx.msk [tilespmem:v27+s2+$0x0], $0xffff  }
0x192: {  	v30 =	vld.idx.msk [tilespmem:v28+s2+$0x0], $0xffff;
	_ =	sdelay $0x1  }
0x193: {  	v6 =	vld.idx.msk [tilespmem:v29+s2+$0x0], $0xffff  }
0x194: {  	s25 =	sadd.s32 $0x24C, s18  }
0x195: {  	v31 =	vadd.s32 s25, v1  }
0x196: {  	v32 =	vor.u32 $0x4, v2;
	v5 =	vadd.f32 v30, v5  }
0x197: {  	v33 =	vadd.s32 $0x8004, v3  }
0x198: {  	v5 =	vadd.f32 v6, v5  }
0x199: {  	v34 =	vadd.s32 $0x10004, v4  }
0x19a: {  	[tilespmem:v31+s10+$0x0] =	vst.idx.msk $0xffff, v5  }
0x19b: {  	v5 =	vld.idx.msk [tilespmem:v32+s2+$0x0], $0xffff  }
0x19c: {  	v35 =	vld.idx.msk [tilespmem:v33+s2+$0x0], $0xffff;
	_ =	sdelay $0x1  }
0x19d: {  	v6 =	vld.idx.msk [tilespmem:v34+s2+$0x0], $0xffff  }
0x19e: {  	s26 =	sadd.s32 $0x310, s18  }
0x19f: {  	v36 =	vor.u32 s26, v1  }
0x1a0: {  	v37 =	vor.u32 $0x5, v2;
	v5 =	vadd.f32 v35, v5  }
0x1a1: {  	v38 =	vadd.s32 $0x8005, v3  }
0x1a2: {  	v5 =	vadd.f32 v6, v5  }
0x1a3: {  	v39 =	vadd.s32 $0x10005, v4  }
0x1a4: {  	[tilespmem:v36+s10+$0x0] =	vst.idx.msk $0xffff, v5  }
0x1a5: {  	v5 =	vld.idx.msk [tilespmem:v37+s2+$0x0], $0xffff  }
0x1a6: {  	v40 =	vld.idx.msk [tilespmem:v38+s2+$0x0], $0xffff;
	_ =	sdelay $0x1  }
0x1a7: {  	v6 =	vld.idx.msk [tilespmem:v39+s2+$0x0], $0xffff  }
0x1a8: {  	s28 =	sadd.s32 $0x3D4, s18  }
0x1a9: {  	v41 =	vadd.s32 s28, v1  }
0x1aa: {  	v42 =	vor.u32 $0x6, v2;
	v5 =	vadd.f32 v40, v5  }
0x1ab: {  	v43 =	vadd.s32 $0x8006, v3  }
0x1ac: {  	v5 =	vadd.f32 v6, v5  }
0x1ad: {  	v44 =	vadd.s32 $0x10006, v4  }
0x1ae: {  	[tilespmem:v41+s10+$0x0] =	vst.idx.msk $0xffff, v5  }
0x1af: {  	v5 =	vld.idx.msk [tilespmem:v42+s2+$0x0], $0xffff  }
0x1b0: {  	v45 =	vld.idx.msk [tilespmem:v43+s2+$0x0], $0xffff;
	_ =	sdelay $0x1  }
0x1b1: {  	v6 =	vld.idx.msk [tilespmem:v44+s2+$0x0], $0xffff  }
0x1b2: {  	s29 =	sadd.s32 $0x498, s18  }
0x1b3: {  	v46 =	vadd.s32 s29, v1  }
0x1b4: {  	v47 =	vor.u32 $0x7, v2;
	v5 =	vadd.f32 v45, v5  }
0x1b5: {  	v48 =	vadd.s32 $0x8007, v3  }
0x1b6: {  	v5 =	vadd.f32 v6, v5  }
0x1b7: {  	v49 =	vadd.s32 $0x10007, v4  }
0x1b8: {  	[tilespmem:v46+s10+$0x0] =	vst.idx.msk $0xffff, v5  }
0x1b9: {  	v5 =	vld.idx.msk [tilespmem:v47+s2+$0x0], $0xffff  }
0x1ba: {  	v50 =	vld.idx.msk [tilespmem:v48+s2+$0x0], $0xffff;
	_ =	sdelay $0x1  }
0x1bb: {  	v6 =	vld.idx.msk [tilespmem:v49+s2+$0x0], $0xffff  }
0x1bc: {  	s30 =	sadd.s32 $0x55C, s18  }
0x1bd: {  	v51 =	vadd.s32 s30, v1  }
0x1be: {  	v52 =	vor.u32 $0x8, v2;
	v5 =	vadd.f32 v50, v5  }
0x1bf: {  	v53 =	vadd.s32 $0x8008, v3  }
0x1c0: {  	v5 =	vadd.f32 v6, v5  }
0x1c1: {  	v54 =	vadd.s32 $0x10008, v4  }
0x1c2: {  	[tilespmem:v51+s10+$0x0] =	vst.idx.msk $0xffff, v5  }
0x1c3: {  	v5 =	vld.idx.msk [tilespmem:v52+s2+$0x0], $0xffff  }
0x1c4: {  	v55 =	vld.idx.msk [tilespmem:v53+s2+$0x0], $0xffff;
	_ =	sdelay $0x1  }
0x1c5: {  	v6 =	vld.idx.msk [tilespmem:v54+s2+$0x0], $0xffff  }
0x1c6: {  	s31 =	sadd.s32 $0x620, s18  }
0x1c7: {  	v56 =	vor.u32 s31, v1  }
0x1c8: {  	v57 =	vor.u32 $0x9, v2;
	v5 =	vadd.f32 v55, v5  }
0x1c9: {  	v58 =	vadd.s32 $0x8009, v3  }
0x1ca: {  	v5 =	vadd.f32 v6, v5  }
0x1cb: {  	v59 =	vadd.s32 $0x10009, v4  }
0x1cc: {  	[tilespmem:v56+s10+$0x0] =	vst.idx.msk $0xffff, v5  }
0x1cd: {  	v5 =	vld.idx.msk [tilespmem:v57+s2+$0x0], $0xffff  }
0x1ce: {  	v60 =	vld.idx.msk [tilespmem:v58+s2+$0x0], $0xffff;
	_ =	sdelay $0x1  }
0x1cf: {  	v6 =	vld.idx.msk [tilespmem:v59+s2+$0x0], $0xffff  }
0x1d0: {  	s20 =	sadd.s32 $0x6E4, s18  }
0x1d1: {  	v61 =	vadd.s32 s20, v1  }
0x1d2: {  	v62 =	vor.u32 $0xA, v2;
	v5 =	vadd.f32 v60, v5  }
0x1d3: {  	v63 =	vadd.s32 $0x800A, v3  }
0x1d4: {  	v5 =	vadd.f32 v6, v5  }
0x1d5: {  	v12 =	vadd.s32 $0x1000A, v4  }
0x1d6: {  	[tilespmem:v61+s10+$0x0] =	vst.idx.msk $0xffff, v5  }
0x1d7: {  	v5 =	vld.idx.msk [tilespmem:v62+s2+$0x0], $0xffff  }
0x1d8: {  	v13 =	vld.idx.msk [tilespmem:v63+s2+$0x0], $0xffff;
	_ =	sdelay $0x1  }
0x1d9: {  	v6 =	vld.idx.msk [tilespmem:v12+s2+$0x0], $0xffff  }
0x1da: {  	s21 =	sadd.s32 $0x7A8, s18  }
0x1db: {  	v14 =	vadd.s32 s21, v1  }
0x1dc: {  	v15 =	vor.u32 $0xB, v2;
	v5 =	vadd.f32 v13, v5  }
0x1dd: {  	v16 =	vadd.s32 $0x800B, v3  }
0x1de: {  	v5 =	vadd.f32 v6, v5  }
0x1df: {  	v17 =	vadd.s32 $0x1000B, v4  }
0x1e0: {  	[tilespmem:v14+s10+$0x0] =	vst.idx.msk $0xffff, v5  }
0x1e1: {  	v5 =	vld.idx.msk [tilespmem:v15+s2+$0x0], $0xffff  }
0x1e2: {  	v18 =	vld.idx.msk [tilespmem:v16+s2+$0x0], $0xffff;
	_ =	sdelay $0x1  }
0x1e3: {  	v6 =	vld.idx.msk [tilespmem:v17+s2+$0x0], $0xffff  }
0x1e4: {  	s22 =	sadd.s32 $0x86C, s18  }
0x1e5: {  	v19 =	vadd.s32 s22, v1  }
0x1e6: {  	v20 =	vor.u32 $0xC, v2;
	v5 =	vadd.f32 v18, v5  }
0x1e7: {  	v21 =	vadd.s32 $0x800C, v3  }
0x1e8: {  	v5 =	vadd.f32 v6, v5  }
0x1e9: {  	v22 =	vadd.s32 $0x1000C, v4  }
0x1ea: {  	[tilespmem:v19+s10+$0x0] =	vst.idx.msk $0xffff, v5  }
0x1eb: {  	v5 =	vld.idx.msk [tilespmem:v20+s2+$0x0], $0xffff  }
0x1ec: {  	v23 =	vld.idx.msk [tilespmem:v21+s2+$0x0], $0xffff;
	_ =	sdelay $0x1  }
0x1ed: {  	v6 =	vld.idx.msk [tilespmem:v22+s2+$0x0], $0xffff  }
0x1ee: {  	s23 =	sadd.s32 $0x930, s18  }
0x1ef: {  	v24 =	vor.u32 s23, v1  }
0x1f0: {  	v25 =	vor.u32 $0xD, v2;
	v5 =	vadd.f32 v23, v5  }
0x1f1: {  	v26 =	vadd.s32 $0x800D, v3  }
0x1f2: {  	v5 =	vadd.f32 v6, v5  }
0x1f3: {  	v27 =	vadd.s32 $0x1000D, v4  }
0x1f4: {  	[tilespmem:v24+s10+$0x0] =	vst.idx.msk $0xffff, v5  }
0x1f5: {  	v5 =	vld.idx.msk [tilespmem:v25+s2+$0x0], $0xffff  }
0x1f6: {  	v28 =	vld.idx.msk [tilespmem:v26+s2+$0x0], $0xffff;
	_ =	sdelay $0x1  }
0x1f7: {  	v6 =	vld.idx.msk [tilespmem:v27+s2+$0x0], $0xffff  }
0x1f8: {  	s24 =	sadd.s32 $0x9F4, s18  }
0x1f9: {  	v29 =	vadd.s32 s24, v1  }
0x1fa: {  	v30 =	vor.u32 $0xE, v2;
	v5 =	vadd.f32 v28, v5  }
0x1fb: {  	v31 =	vadd.s32 $0x800E, v3  }
0x1fc: {  	v5 =	vadd.f32 v6, v5  }
0x1fd: {  	v32 =	vadd.s32 $0x1000E, v4  }
0x1fe: {  	[tilespmem:v29+s10+$0x0] =	vst.idx.msk $0xffff, v5  }
0x1ff: {  	v5 =	vld.idx.msk [tilespmem:v30+s2+$0x0], $0xffff  }
0x200: {  	v33 =	vld.idx.msk [tilespmem:v31+s2+$0x0], $0xffff;
	_ =	sdelay $0x1  }
0x201: {  	v6 =	vld.idx.msk [tilespmem:v32+s2+$0x0], $0xffff  }
0x202: {  	s25 =	sadd.s32 $0xAB8, s18  }
0x203: {  	v34 =	vadd.s32 s25, v1  }
0x204: {  	v35 =	vor.u32 $0xF, v2;
	v5 =	vadd.f32 v33, v5  }
0x205: {  	v36 =	vadd.s32 $0x800F, v3  }
0x206: {  	v5 =	vadd.f32 v6, v5  }
0x207: {  	v37 =	vadd.s32 $0x1000F, v4  }
0x208: {  	[tilespmem:v34+s10+$0x0] =	vst.idx.msk $0xffff, v5  }
0x209: {  	v5 =	vld.idx.msk [tilespmem:v35+s2+$0x0], $0xffff  }
0x20a: {  	v38 =	vld.idx.msk [tilespmem:v36+s2+$0x0], $0xffff;
	_ =	sdelay $0x1  }
0x20b: {  	v6 =	vld.idx.msk [tilespmem:v37+s2+$0x0], $0xffff  }
0x20c: {  	s26 =	sadd.s32 $0xB7C, s18  }
0x20d: {  	v39 =	vadd.s32 s26, v1  }
0x20e: {  	v40 =	vor.u32 $0x10, v2;
	v5 =	vadd.f32 v38, v5  }
0x20f: {  	v41 =	vadd.s32 $0x8010, v3  }
0x210: {  	v5 =	vadd.f32 v6, v5  }
0x211: {  	v42 =	vadd.s32 $0x10010, v4  }
0x212: {  	[tilespmem:v39+s10+$0x0] =	vst.idx.msk $0xffff, v5  }
0x213: {  	v5 =	vld.idx.msk [tilespmem:v40+s2+$0x0], $0xffff  }
0x214: {  	v43 =	vld.idx.msk [tilespmem:v41+s2+$0x0], $0xffff;
	_ =	sdelay $0x1  }
0x215: {  	v6 =	vld.idx.msk [tilespmem:v42+s2+$0x0], $0xffff  }
0x216: {  	s28 =	sadd.s32 $0xC40, s18  }
0x217: {  	v44 =	vor.u32 s28, v1  }
0x218: {  	v45 =	vor.u32 $0x11, v2;
	v5 =	vadd.f32 v43, v5  }
0x219: {  	v46 =	vadd.s32 $0x8011, v3  }
0x21a: {  	v5 =	vadd.f32 v6, v5  }
0x21b: {  	v47 =	vadd.s32 $0x10011, v4  }
0x21c: {  	[tilespmem:v44+s10+$0x0] =	vst.idx.msk $0xffff, v5  }
0x21d: {  	v5 =	vld.idx.msk [tilespmem:v45+s2+$0x0], $0xffff  }
0x21e: {  	v48 =	vld.idx.msk [tilespmem:v46+s2+$0x0], $0xffff;
	_ =	sdelay $0x1  }
0x21f: {  	v6 =	vld.idx.msk [tilespmem:v47+s2+$0x0], $0xffff  }
0x220: {  	s29 =	sadd.s32 $0xD04, s18  }
0x221: {  	v49 =	vadd.s32 s29, v1  }
0x222: {  	v50 =	vor.u32 $0x12, v2;
	v5 =	vadd.f32 v48, v5  }
0x223: {  	v51 =	vadd.s32 $0x8012, v3  }
0x224: {  	v5 =	vadd.f32 v6, v5  }
0x225: {  	v52 =	vadd.s32 $0x10012, v4  }
0x226: {  	[tilespmem:v49+s10+$0x0] =	vst.idx.msk $0xffff, v5  }
0x227: {  	v5 =	vld.idx.msk [tilespmem:v50+s2+$0x0], $0xffff  }
0x228: {  	v53 =	vld.idx.msk [tilespmem:v51+s2+$0x0], $0xffff;
	_ =	sdelay $0x1  }
0x229: {  	v6 =	vld.idx.msk [tilespmem:v52+s2+$0x0], $0xffff  }
0x22a: {  	s30 =	sadd.s32 $0xDC8, s18  }
0x22b: {  	v54 =	vadd.s32 s30, v1  }
0x22c: {  	v55 =	vor.u32 $0x13, v2;
	v5 =	vadd.f32 v53, v5  }
0x22d: {  	v56 =	vadd.s32 $0x8013, v3  }
0x22e: {  	v5 =	vadd.f32 v6, v5  }
0x22f: {  	v57 =	vadd.s32 $0x10013, v4  }
0x230: {  	[tilespmem:v54+s10+$0x0] =	vst.idx.msk $0xffff, v5  }
0x231: {  	v5 =	vld.idx.msk [tilespmem:v55+s2+$0x0], $0xffff  }
0x232: {  	v58 =	vld.idx.msk [tilespmem:v56+s2+$0x0], $0xffff;
	_ =	sdelay $0x1  }
0x233: {  	v6 =	vld.idx.msk [tilespmem:v57+s2+$0x0], $0xffff  }
0x234: {  	s31 =	sadd.s32 $0xE8C, s18  }
0x235: {  	v59 =	vadd.s32 s31, v1  }
0x236: {  	v60 =	vor.u32 $0x14, v2;
	v5 =	vadd.f32 v58, v5  }
0x237: {  	v61 =	vadd.s32 $0x8014, v3  }
0x238: {  	v5 =	vadd.f32 v6, v5  }
0x239: {  	v62 =	vadd.s32 $0x10014, v4  }
0x23a: {  	[tilespmem:v59+s10+$0x0] =	vst.idx.msk $0xffff, v5  }
0x23b: {  	v5 =	vld.idx.msk [tilespmem:v60+s2+$0x0], $0xffff  }
0x23c: {  	v63 =	vld.idx.msk [tilespmem:v61+s2+$0x0], $0xffff;
	_ =	sdelay $0x1  }
0x23d: {  	v6 =	vld.idx.msk [tilespmem:v62+s2+$0x0], $0xffff  }
0x23e: {  	s20 =	sadd.s32 $0xF50, s18  }
0x23f: {  	v12 =	vor.u32 s20, v1  }
0x240: {  	v13 =	vor.u32 $0x15, v2;
	v5 =	vadd.f32 v63, v5  }
0x241: {  	v14 =	vadd.s32 $0x8015, v3  }
0x242: {  	v5 =	vadd.f32 v6, v5  }
0x243: {  	v15 =	vadd.s32 $0x10015, v4  }
0x244: {  	[tilespmem:v12+s10+$0x0] =	vst.idx.msk $0xffff, v5  }
0x245: {  	v5 =	vld.idx.msk [tilespmem:v13+s2+$0x0], $0xffff  }
0x246: {  	v16 =	vld.idx.msk [tilespmem:v14+s2+$0x0], $0xffff;
	_ =	sdelay $0x1  }
0x247: {  	v6 =	vld.idx.msk [tilespmem:v15+s2+$0x0], $0xffff  }
0x248: {  	s21 =	sadd.s32 $0x1014, s18  }
0x249: {  	v17 =	vadd.s32 s21, v1  }
0x24a: {  	v18 =	vor.u32 $0x16, v2;
	v5 =	vadd.f32 v16, v5  }
0x24b: {  	v19 =	vadd.s32 $0x8016, v3  }
0x24c: {  	v5 =	vadd.f32 v6, v5  }
0x24d: {  	v20 =	vadd.s32 $0x10016, v4  }
0x24e: {  	[tilespmem:v17+s10+$0x0] =	vst.idx.msk $0xffff, v5  }
0x24f: {  	v5 =	vld.idx.msk [tilespmem:v18+s2+$0x0], $0xffff  }
0x250: {  	v21 =	vld.idx.msk [tilespmem:v19+s2+$0x0], $0xffff;
	_ =	sdelay $0x1  }
0x251: {  	v6 =	vld.idx.msk [tilespmem:v20+s2+$0x0], $0xffff  }
0x252: {  	s22 =	sadd.s32 $0x10D8, s18  }
0x253: {  	v22 =	vadd.s32 s22, v1  }
0x254: {  	v23 =	vor.u32 $0x17, v2;
	v5 =	vadd.f32 v21, v5  }
0x255: {  	v24 =	vadd.s32 $0x8017, v3  }
0x256: {  	v5 =	vadd.f32 v6, v5  }
0x257: {  	v25 =	vadd.s32 $0x10017, v4  }
0x258: {  	[tilespmem:v22+s10+$0x0] =	vst.idx.msk $0xffff, v5  }
0x259: {  	v5 =	vld.idx.msk [tilespmem:v23+s2+$0x0], $0xffff  }
0x25a: {  	v26 =	vld.idx.msk [tilespmem:v24+s2+$0x0], $0xffff;
	_ =	sdelay $0x1  }
0x25b: {  	v6 =	vld.idx.msk [tilespmem:v25+s2+$0x0], $0xffff  }
0x25c: {  	s23 =	sadd.s32 $0x119C, s18  }
0x25d: {  	v27 =	vadd.s32 s23, v1  }
0x25e: {  	v28 =	vor.u32 $0x18, v2;
	v5 =	vadd.f32 v26, v5  }
0x25f: {  	v29 =	vadd.s32 $0x8018, v3  }
0x260: {  	v5 =	vadd.f32 v6, v5  }
0x261: {  	v30 =	vadd.s32 $0x10018, v4  }
0x262: {  	[tilespmem:v27+s10+$0x0] =	vst.idx.msk $0xffff, v5  }
0x263: {  	v5 =	vld.idx.msk [tilespmem:v28+s2+$0x0], $0xffff  }
0x264: {  	v31 =	vld.idx.msk [tilespmem:v29+s2+$0x0], $0xffff;
	_ =	sdelay $0x1  }
0x265: {  	v6 =	vld.idx.msk [tilespmem:v30+s2+$0x0], $0xffff  }
0x266: {  	s24 =	sadd.s32 $0x1260, s18  }
0x267: {  	v32 =	vor.u32 s24, v1  }
0x268: {  	v33 =	vor.u32 $0x19, v2;
	v5 =	vadd.f32 v31, v5  }
0x269: {  	v34 =	vadd.s32 $0x8019, v3  }
0x26a: {  	v5 =	vadd.f32 v6, v5  }
0x26b: {  	v35 =	vadd.s32 $0x10019, v4  }
0x26c: {  	[tilespmem:v32+s10+$0x0] =	vst.idx.msk $0xffff, v5  }
0x26d: {  	v5 =	vld.idx.msk [tilespmem:v33+s2+$0x0], $0xffff  }
0x26e: {  	v36 =	vld.idx.msk [tilespmem:v34+s2+$0x0], $0xffff;
	_ =	sdelay $0x1  }
0x26f: {  	v6 =	vld.idx.msk [tilespmem:v35+s2+$0x0], $0xffff  }
0x270: {  	s25 =	sadd.s32 $0x1324, s18  }
0x271: {  	v37 =	vadd.s32 s25, v1  }
0x272: {  	v38 =	vor.u32 $0x1A, v2;
	v5 =	vadd.f32 v36, v5  }
0x273: {  	v39 =	vadd.s32 $0x801A, v3  }
0x274: {  	v5 =	vadd.f32 v6, v5  }
0x275: {  	v40 =	vadd.s32 $0x1001A, v4  }
0x276: {  	[tilespmem:v37+s10+$0x0] =	vst.idx.msk $0xffff, v5  }
0x277: {  	v5 =	vld.idx.msk [tilespmem:v38+s2+$0x0], $0xffff  }
0x278: {  	v41 =	vld.idx.msk [tilespmem:v39+s2+$0x0], $0xffff;
	_ =	sdelay $0x1  }
0x279: {  	v6 =	vld.idx.msk [tilespmem:v40+s2+$0x0], $0xffff  }
0x27a: {  	s26 =	sadd.s32 $0x13E8, s18  }
0x27b: {  	v42 =	vadd.s32 s26, v1  }
0x27c: {  	v43 =	vor.u32 $0x1B, v2;
	v5 =	vadd.f32 v41, v5  }
0x27d: {  	v44 =	vadd.s32 $0x801B, v3  }
0x27e: {  	v5 =	vadd.f32 v6, v5  }
0x27f: {  	v45 =	vadd.s32 $0x1001B, v4  }
0x280: {  	[tilespmem:v42+s10+$0x0] =	vst.idx.msk $0xffff, v5  }
0x281: {  	v5 =	vld.idx.msk [tilespmem:v43+s2+$0x0], $0xffff  }
0x282: {  	v46 =	vld.idx.msk [tilespmem:v44+s2+$0x0], $0xffff;
	_ =	sdelay $0x1  }
0x283: {  	v6 =	vld.idx.msk [tilespmem:v45+s2+$0x0], $0xffff  }
0x284: {  	s28 =	sadd.s32 $0x14AC, s18  }
0x285: {  	v47 =	vadd.s32 s28, v1  }
0x286: {  	v48 =	vor.u32 $0x1C, v2;
	v5 =	vadd.f32 v46, v5  }
0x287: {  	v49 =	vadd.s32 $0x801C, v3  }
0x288: {  	v5 =	vadd.f32 v6, v5  }
0x289: {  	v50 =	vadd.s32 $0x1001C, v4  }
0x28a: {  	[tilespmem:v47+s10+$0x0] =	vst.idx.msk $0xffff, v5  }
0x28b: {  	v5 =	vld.idx.msk [tilespmem:v48+s2+$0x0], $0xffff  }
0x28c: {  	v51 =	vld.idx.msk [tilespmem:v49+s2+$0x0], $0xffff;
	_ =	sdelay $0x1  }
0x28d: {  	v6 =	vld.idx.msk [tilespmem:v50+s2+$0x0], $0xffff  }
0x28e: {  	s29 =	sadd.s32 $0x1570, s18  }
0x28f: {  	v52 =	vor.u32 s29, v1  }
0x290: {  	v53 =	vor.u32 $0x1D, v2;
	v5 =	vadd.f32 v51, v5  }
0x291: {  	v54 =	vadd.s32 $0x801D, v3  }
0x292: {  	v5 =	vadd.f32 v6, v5  }
0x293: {  	v55 =	vadd.s32 $0x1001D, v4  }
0x294: {  	[tilespmem:v52+s10+$0x0] =	vst.idx.msk $0xffff, v5  }
0x295: {  	v5 =	vld.idx.msk [tilespmem:v53+s2+$0x0], $0xffff  }
0x296: {  	v56 =	vld.idx.msk [tilespmem:v54+s2+$0x0], $0xffff;
	_ =	sdelay $0x1  }
0x297: {  	v6 =	vld.idx.msk [tilespmem:v55+s2+$0x0], $0xffff  }
0x298: {  	s30 =	sadd.s32 $0x1634, s18  }
0x299: {  	v57 =	vadd.s32 s30, v1  }
0x29a: {  	v58 =	vor.u32 $0x1E, v2;
	v5 =	vadd.f32 v56, v5  }
0x29b: {  	v59 =	vadd.s32 $0x801E, v3  }
0x29c: {  	v5 =	vadd.f32 v6, v5  }
0x29d: {  	v60 =	vadd.s32 $0x1001E, v4  }
0x29e: {  	[tilespmem:v57+s10+$0x0] =	vst.idx.msk $0xffff, v5  }
0x29f: {  	v5 =	vld.idx.msk [tilespmem:v58+s2+$0x0], $0xffff  }
0x2a0: {  	v61 =	vld.idx.msk [tilespmem:v59+s2+$0x0], $0xffff;
	_ =	sdelay $0x1  }
0x2a1: {  	v6 =	vld.idx.msk [tilespmem:v60+s2+$0x0], $0xffff  }
0x2a2: {  	s31 =	sadd.s32 $0x16F8, s18  }
0x2a3: {  	v62 =	vadd.s32 s31, v1  }
0x2a4: {  	v2 =	vor.u32 $0x1F, v2;
	v5 =	vadd.f32 v61, v5  }
0x2a5: {  	v3 =	vadd.s32 $0x801F, v3  }
0x2a6: {  	v5 =	vadd.f32 v6, v5  }
0x2a7: {  	v4 =	vadd.s32 $0x1001F, v4  }
0x2a8: {  	[tilespmem:v62+s10+$0x0] =	vst.idx.msk $0xffff, v5  }
0x2a9: {  	v2 =	vld.idx.msk [tilespmem:v2+s2+$0x0], $0xffff  }
0x2aa: {  	v3 =	vld.idx.msk [tilespmem:v3+s2+$0x0], $0xffff;
	_ =	sdelay $0x1  }
0x2ab: {  	v4 =	vld.idx.msk [tilespmem:v4+s2+$0x0], $0xffff  }
0x2ac: {  	s18 =	sadd.s32 $0x17BC, s18  }
0x2ad: {  	p0 =	sne.s32 s16, $0xB0;
	v63 =	vadd.s32 s18, v1  }
.Ltmp0:
0x2ae: {  	v2 =	vadd.f32 v3, v2;
	(pc) =	sbr.rel @p0 .LBB2_3-.Ltmp0, $3  }
0x2af: {  	_ = 	snop  }
0x2b0: {  	v2 =	vadd.f32 v4, v2;
	_ =	sdelay $0x1  }
0x2b1: {  	s16 =	sadd.s32 $0x10, s16;
	[tilespmem:v63+s10+$0x0] =	vst.idx.msk $0xffff, v2  }
0x2b2: {  	s14 =	sadd.s32 $0x1, s14  }
0x2b3: {  	p0 =	sne.s32 s14, $0x80  }
.Ltmp1:
0x2b4: {  	_ = 	snop;
	(pc) =	sbr.rel @p0 .LBB2_2-.Ltmp1, $3  }
0x2b5: {  	s15 =	smul.u32 $0x310, s15;
	_ =	sdelay $0x1  }
0x2b6: {  	s16 =	sadd.s32 $0x19280, s17;
	s13 =	sadd.s32 $0x1, s13;
	s15 =	sadd.s32 s1, s15  }
0x2b7: {  	[hbm4b:s15+s2] =	stream.linear.scatter [tilespmem:s16], [sflag:$0x1], $0x1880, $0x38;
	[tilespmem:$0x1C400] =	vst v63  }
0x2b8: {  	s12 =	sadd.s32 $0x1, s12  }
0x2b9: {  	_ =	swait.ge [sflag:s11], $0x1880;
	p0 =	sne.s32 s12, s7  }
.Ltmp2:
0x2ba: {  	[sflag:s11] =	ssyncset.done $0x0;
	(pc) =	sbr.rel @p0 .LBB2_1-.Ltmp2, $4  }
0x2bb: {  	[sflag:s11] =	ssyncadd.s32 $0xFFFFE780  }
0x2bc: {  	_ =	swait.ge [sflag:s11], $0x1880  }
0x2bd: {  	[sflag:s11] =	ssyncset.done $0x0  }
0x2be: {  	[sflag:s11] =	ssyncadd.s32 $0xFFFFE780  }
0x2bf: {  	_ =	sfence.sel $0x180000  }
0x2c0: {  	[bflag:$0x0] =	sbarrier.arrive $0xFFFF  }
0x2c1: {  	p0 =	sne.s32 s3, $0x0;
	_ =	strace $0x90000047  }
0x2c2: {  	s0 =	sadd.s32 @!p0 $0x100000, s0;
	[bflag:$0x2] =	sbarrier.arrive $0xFFFF  }
0x2c3: {  	[sflag:s0] =	ssyncadd.tile.s32 @!p0 $0x1;
	_ =	shalt  }
.Lfunc_end2:
_tile_overlayer_lowered:
.L_overlay_start_2:
0x2c4: {  	(tag) =	ssettag $0x2  }
0x2c5: {  	s0 =	rddreg [dreg:$0x0];
	s2 =	stileid.u32  }
0x2c6: {  	s1 =	rddreg [dreg:$0x1];
	p0 =	sne.s32 s2, $0x0  }
0x2c7: {  	s3 =	rddreg [dreg:$0x2];
	[bflag:$0x3] =	sbarrier.arrive $0xFFFF;
	s2 =	simm.s32 @!p0 $0x1C02  }
0x2c8: {  	[timem:s3], [sflag:s2] =	dma.local @!p0 [hbm:s0], s1  }
0x2c9: {  	s0 =	simm.s32 @!p0 $0x2  }
0x2ca: {  	_ =	swait.ge @!p0 [sflag:s0], s1  }
0x2cb: {  	s1 =	ssub.s32 @!p0 $0x0, s1;
	[sflag:s0] =	ssyncset.done @!p0 $0x0  }
0x2cc: {  	[sflag:s0] =	ssyncadd.s32 @!p0 s1  }
0x2cd: {  	[bflag:$0x3] =	sbarrier.arrive $0xFFFF  }
0x2ce: {  	_ =	shalt  }

// kernel: sparse-core-data-format-call.cloned.1.call-start
scs
called_computation_lowered:
.L_overlay_start_0:
0x0: {  	s2 =	sld [smem:$0x3FD9]  }
0x1: {  	s3 =	sld [smem:$0x3FFE];
	_ =	sdelay $0x1  }
0x2: {  	s1 =	srdreg.scid  }
0x3: {  	s0 =	sand.u32 $0x1, s1  }
0x4: {  	s18 =	sshll.u32 s0, $0xA;
	s2 =	sadd.s32 s3, s2  }
0x5: {  	s2 =	sadd.s32 s2, s18  }
0x6: {  	[smem:$0x3FC6] =	sst s2  }
0x7: {  	_ = 	snop  }
0x8: {  	s2 =	sld [smem:$0x3FD0];
	(tm) =	ssettm $0x1  }
0x9: {  	s19 =	sld [smem:$0x3FFB];
	_ =	sdelay $0x3  }
0xa: {  	_ =	strace s19  }
0xb: {  	s3 =	sld [smem:$0x3FFC];
	_ =	sdelay $0x3  }
0xc: {  	_ =	strace s3  }
0xd: {  	s3 =	sld [smem:$0x3FFD];
	_ =	sdelay $0x3  }
0xe: {  	_ =	strace s3  }
0xf: {  	_ =	strace $0x8FFFFFFF  }
0x10: {  	s20 =	sld [smem:$0x3FDB];
	_ =	sdelay $0x1  }
0x11: {  	s4 =	simm.s32 $_scs_section_size  }
0x12: {  	s5 =	simm.s32 $_size__tile_overlayer_lowered;
	s6 =	simm.s32 $_tile_overlayer_lowered  }
0x13: {  	s23 =	simm.s32 $0x1BFF;
	s22 =	sshll.u32 s6, $0x1;
	s3 =	sadd.s32 s4, s20  }
0x14: {  	s7 =	simm.s32 $0x0;
	s21 =	sshll.u32 s5, $0x1;
	s5 =	sadd.s32 s22, s3  }
0x15: {  	[timem:s7], [sflag:s23] =	dma.local [hbm:s5], s21  }
0x16: {  	_ =	swait.ge [sflag:s23], s21  }
0x17: {  	s4 =	ssub.s32 $0x0, s21;
	[sflag:s23] =	ssyncset.done $0x0  }
0x18: {  	[sflag:s23] =	ssyncadd.s32 s4;
	_ =	sdelay $0x1  }
0x19: {  	s24 =	simm.s32 $0x1B8B  }
0x1a: {  	_ =	swait.ge [sflag:s24], $0x1  }
0x1b: {  	[sflag:s24] =	ssyncset.done $0x0  }
0x1c: {  	s26 =	simm.s32 $0x1B8E;
	s25 =	sld [smem:$0x3FFE];
	[sflag:s24] =	ssyncadd.s32 $0xFFFFFFFF  }
0x1d: {  	s27 =	simm.s32 $execute0_lowered;
	[smem:$0x3FD2] =	sst s26  }
0x1e: {  	s5 =	sshll.u32 s27, $0x1;
	_ =	strace $0x80000049;
	[dreg:$0x1] =	wrdreg $0xFFFFFFFF  }
0x1f: {  	s28 =	simm.s32 $_size_execute0_lowered;
	s3 =	sadd.s32 s3, s5;
	[dreg:$0x0] =	wrdreg $0x0  }
0x20: {  	s5 =	sshll.u32 s28, $0x1;
	[dreg:$0x2] =	wrdreg s3  }
0x21: {  	[dreg:$0x3] =	wrdreg s5  }
0x22: {  	[dreg:$0x4] =	wrdreg $0xC0  }
0x23: {  	_ =	task [dreg:s7], $0x5FFFF  }
0x24: {  	[dreg:$0x1] =	wrdreg $0xFFFFFFFF  }
0x25: {  	[dreg:$0x0] =	wrdreg $0x60  }
0x26: {  	[dreg:$0x2] =	wrdreg s25  }
0x27: {  	[dreg:$0x3] =	wrdreg s2  }
0x28: {  	[dreg:$0x4] =	wrdreg $0x9  }
0x29: {  	_ =	task.clear_ibuf [dreg:s7], $0x5FFFF;
	_ =	strace $0x90000049  }
0x2a: {  	s29 =	simm.s32 $0x9;
	_ =	strace $0x8000004B  }
0x2b: {  	_ =	swait.ge [sflag:s29], $0x1  }
0x2c: {  	[sflag:s29] =	ssyncadd.s32 $0xFFFFFFFF  }
0x2d: {  	_ =	strace $0x9000004B  }
0x2e: {  	_ =	sfence  }
0x2f: {  	s30 =	sld [smem:$0x0];
	_ =	sdelay $0x2  }
0x30: {  	s31 =	sshll.u32 s1, $0xD;
	s1 =	sshrl.u32 s1, $0x2  }
0x31: {  	s3 =	sand.u32 $0x4000, s31;
	s1 =	sadd.s32 s1, s30  }
0x32: {  	s0 =	sor.u32 s3, s0;
	s1 =	sshll.u32 s1, $0x11  }
0x33: {  	s0 =	sor.u32 s1, s0  }
0x34: {  	s0 =	sadd.s32 $0x8F2B, s0  }
0x35: {  	[sflag:s0] =	ssyncadd.remote.s32 $0x1  }
0x36: {  	_ =	sfence.sel $0xFFFF  }
0x37: {  	[dreg:$0x0] =	wrdreg $0xFFFFFFFF;
	(pc) =	sbr.abs _section_cstart, $3  }
0x38: {  	[dreg:$0x1] =	wrdreg $0xFFFFFFFF  }
0x39: {  	_ =	task.clear_ibuf [dreg:s7], $0x2FFFF;
	_ =	strace $0x9FFFFFFF  }
0x3a: {  	(tm) =	ssettm $0x7FFFFFFF  }
0x3b: {  	_ =	shalt  }
tec
execute0_lowered:
.L_overlay_start_1:
0x0: {  	(tag) =	ssettag $0x1  }
0x1: {  	s0 =	srdreg.scid;
	s6 =	rddreg [dreg:$0x0]  }
0x2: {  	s3 =	rddreg [dreg:$0x1];
	s1 =	sshll.u32 s0, $0x4  }
0x3: {  	s5 =	simm.s32 $0x1;
	s0 =	stileid.u32;
	s1 =	sand.u32 $0x10, s1  }
0x4: {  	s31 =	simm.s32 $0x2;
	s18 =	simm.s32 $0x0;
	s1 =	sor.u32 s0, s1  }
0x5: {  	s8 =	simm.s32 $0x20000;
	s17 =	simm.s32 $0x0;
	s2 =	sshll.u32 s1, $0x7  }
0x6: {  	s16 =	simm.s32 $0x0;
	s9 =	simm.s32 $0x0;
	s4 =	ssub.s32 $0x1000, s2  }
0x7: {  	s10 =	simm.s32 $0x0;
	s11 =	simm.s32 $0x0;
	s30 =	sand.u32 $0xF80, s4  }
0x8: {  	s12 =	simm.s32 $0x0;
	s13 =	simm.s32 $0x0;
	p0 =	sne.s32 s30, $0x0  }
.Ltmp0:
0x9: {  	s7 =	sshrl.u32 s4, $0xC;
	s5 =	simm.s32 @!p0 $0x0;
	(pc) =	sbr.rel .LBB1_1-.Ltmp0, $4  }
0xa: {  	s15 =	simm.s32 $0x0;
	s1 =	rddreg [dreg:$0x2];
	s5 =	sadd.s32 s5, s7  }
0xb: {  	_ =	strace $0x8000004A;
	s4 =	simm.s32 $0x1;
	s5 =	smul.u32 $0x1C0, s5  }
0xc: {  	s6 =	sadd.s32 $0x800, s6;
	s14 =	smov.u32 s2;
	[sflag:s4] =	ssyncpa.u1 $0x0  }
0xd: {  	[sflag:s31] =	ssyncpa.u1 $0x0;
	p0 =	por $0x0, $0x0;
	s7 =	sor.u32 $0x1, s5  }
.LBB1_4:
0xe: {  	s21 =	sshll.u32 s10, $0xC  }
0xf: {  	s22 =	sshll.u32 s11, $0x3;
	p1 =	sgt.s32 s10, $0x1F;
	s24 =	sshra.s32 s10, $0x1F  }
0x10: {  	p2 =	sgt.s32 s9, $0xD;
	s25 =	sshra.s32 s11, $0x1F;
	s27 =	sshra.s32 s9, $0x1F  }
0x11: {  	s30 =	sshll.u32 s10, $0x7;
	s31 =	sand.u32 $0x78, s11;
	s21 =	sand.u32 $0x18000, s21  }
0x12: {  	s23 =	sand.u32 $0x1FC00, s22;
	s24 =	sand.u32 s24, s10;
	s25 =	sand.u32 s25, s11  }
0x13: {  	s22 =	sand.u32 $0xC00, s22;
	s21 =	sadd.s32 s23, s21;
	s23 =	smov.u32 s10  }
0x14: {  	s22 =	sor.u32 s31, s22;
	s23 =	simm.s32 @!p1 $0x1F;
	p1 =	sgt.s32 s11, $0xF80  }
0x15: {  	s21 =	sshrl.u32 s21, $0x3;
	s23 =	ssub.s32 s23, s24;
	s24 =	smov.u32 s11  }
0x16: {  	s26 =	sadd.s32 $0xFFFFFFE1, s23;
	s24 =	simm.s32 @!p1 $0xF80;
	s23 =	ssub.s32 $0x20, s23  }
0x17: {  	p1 =	sgt.s32 s26, $0x0;
	s26 =	smov.u32 s9;
	s24 =	ssub.s32 s24, s25  }
0x18: {  	s25 =	sand.u32 s27, s9;
	s27 =	smul.u32 $0x38000, s9;
	s26 =	simm.s32 @!p2 $0xD  }
0x19: {  	s23 =	simm.s32 @p1 $0x0;
	s28 =	sadd.s32 $0xFFFFF080, s24;
	s25 =	ssub.s32 s26, s25  }
0x1a: {  	s24 =	ssub.s32 $0x1000, s24;
	p1 =	sgt.s32 s28, $0x7F;
	s29 =	ssub.s32 $0xE, s25  }
0x1b: {  	s25 =	sadd.s32 $0xFFFFFFF3, s25;
	s24 =	simm.s32 @p1 $0x0;
	s26 =	smul.u32 $0xE, s29  }
0x1c: {  	s21 =	sand.u32 $0x3E00, s21;
	p1 =	sgt.s32 s25, $0x0;
	s23 =	smul.u32 s24, s23  }
0x1d: {  	s28 =	sand.u32 $0x7, s11;
	s25 =	sand.u32 $0x380, s30;
	s26 =	simm.s32 @p1 $0x0  }
0x1e: {  	s24 =	sadd.s32 s3, s27;
	s22 =	sor.u32 s25, s22;
	s23 =	smul.u32 s26, s23  }
0x1f: {  	s29 =	sshll.u32 s28, $0x12;
	s21 =	sadd.s32 s21, s24;
	s22 =	sshrl.u32 s22, $0x3  }
0x20: {  	[tilespmem:s20+$0x0 ss:$0x81] =	vst.msk $0xffff, v0;
	s31 =	sor.u32 $0x80, s29;
	s21 =	sadd.s32 s22, s21;
	s30 =	sand.u32 $0x3FFFFFFE, s23  }
0x21: {  	[hbm4b:s21+s31] =	stream.strided.scatter [tilespmem:s19], [sflag:$0x2], s30, s8, s31, $0x20;
	[tilespmem:$0x2020] =	vst v63  }
.LBB1_5:
0x22: {  	p1 =	slt.u32 s15, $0x2;
	s19 =	smov.u32 s18  }
0x23: {  	p2 =	sgt.s32 @!p1 s18, $0xD;
	s20 =	sshra.s32 @!p1 s18, $0x1F;
	s21 =	sshra.s32 @!p1 s17, $0x1F  }
0x24: {  	p2 =	por !p2, p1;
	s18 =	sand.u32 @!p1 s20, s18;
	s20 =	smov.u32 s17  }
0x25: {  	s19 =	simm.s32 @p2 $0xD;
	p2 =	sgt.s32 @!p1 s17, $0x1F;
	s17 =	sand.u32 @!p1 s21, s17  }
0x26: {  	s21 =	sshra.s32 @!p1 s16, $0x1F;
	s18 =	ssub.s32 @!p1 s19, s18;
	p2 =	por !p2, p1  }
0x27: {  	s19 =	sadd.s32 @!p1 $0xFFFFFFF3, s18;
	s20 =	simm.s32 @p2 $0x1F;
	p2 =	sgt.s32 @!p1 s16, $0xF80  }
0x28: {  	s17 =	ssub.s32 @!p1 s20, s17;
	p2 =	por !p2, p1;
	s20 =	smov.u32 s16  }
0x29: {  	s16 =	sand.u32 @!p1 s21, s16;
	s21 =	sadd.s32 @!p1 $0xFFFFFFE1, s17;
	s20 =	simm.s32 @p2 $0xF80  }
0x2a: {  	p2 =	sgt.s32 @!p1 s19, $0x0;
	p3 =	sgt.s32 @!p1 s21, $0x0;
	s16 =	ssub.s32 @!p1 s20, s16  }
0x2b: {  	s17 =	ssub.s32 @!p1 $0x20, s17;
	p3 =	por !p3, p1;
	s19 =	sadd.s32 @!p1 $0xFFFFF080, s16  }
0x2c: {  	s17 =	simm.s32 @!p3 $0x0;
	p3 =	sgt.s32 @!p1 s19, $0x7F  }
0x2d: {  	s16 =	ssub.s32 @!p1 $0x1000, s16;
	p3 =	por !p3, p1  }
0x2e: {  	s18 =	ssub.s32 @!p1 $0xE, s18;
	s19 =	sadd.s32 $0x1, s12;
	s16 =	simm.s32 @!p3 $0x0  }
0x2f: {  	p3 =	sgt.s32 s19, $0xD;
	s16 =	smul.u32 @!p1 s16, s17;
	s17 =	simm.s32 $0x1  }
0x30: {  	p0 =	por !p0, !p0;
	s18 =	smul.u32 @!p1 $0xE, s18;
	s17 =	simm.s32 @!p3 $0x0  }
0x31: {  	p2 =	por !p2, p1;
	s21 =	smov.u32 s14;
	s20 =	sadd.s32 s17, s13  }
0x32: {  	s18 =	simm.s32 @!p2 $0x0;
	s17 =	sadd.s32 $0x1000, s14;
	p2 =	sgt.s32 s20, $0x1F  }
0x33: {  	s22 =	simm.s32 @!p1 $0x2;
	s19 =	simm.s32 @p3 $0x0;
	s21 =	smov.u32 @p2 s17  }
0x34: {  	s16 =	smul.u32 @!p1 s18, s16;
	s20 =	simm.s32 @p2 $0x0;
	p2 =	sgt.s32 s21, $0xFFF  }
0x35: {  	s18 =	smov.u32 s9;
	s21 =	smov.u32 @p2 s2;
	p2 =	sne.s32 s15, s7  }
.Ltmp1:
0x36: {  	s9 =	smov.u32 s12;
	s12 =	smov.u32 s19;
	(pc) =	sbr.rel @!p2 .LBB1_6-.Ltmp1, $4  }
0x37: {  	s16 =	sand.u32 @!p1 $0x3FFFFFFE, s16;
	s17 =	smov.u32 s10;
	s10 =	smov.u32 s13  }
0x38: {  	_ =	swait.ge @!p1 [sflag:s22], s16;
	s23 =	ssub.s32 @!p1 $0x0, s16;
	s16 =	smov.u32 s11  }
0x39: {  	s11 =	smov.u32 s14;
	s13 =	smov.u32 s20;
	[sflag:s22] =	ssyncset.done @!p1 $0x0  }
0x3a: {  	s15 =	sadd.s32 $0x1, s15;
	[sflag:s22] =	ssyncadd.s32 @!p1 s23;
	s14 =	smov.u32 s21  }
.LBB1_1:
0x3b: {  	p1 =	sge.u32 s15, s5;
	s31 =	sadd.s32 $0xFFFFFFFF, s15  }
0x3c: {  	s19 =	sxor.u32 @!p1 $0xFFFFFFFF, s15;
	s20 =	sshll.u32 @!p1 s14, $0xD;
	s21 =	sshll.u32 @!p1 s13, $0x8  }
0x3d: {  	s22 =	sshll.u32 @!p1 s12, $0x4;
	s19 =	sshll.u32 @!p1 s19, $0xB;
	s20 =	sadd.s32 @!p1 s6, s20  }
0x3e: {  	s22 =	sand.u32 @!p1 $0xF0, s22;
	s19 =	sand.u32 @!p1 $0x800, s19;
	s20 =	sadd.s32 @!p1 s21, s20  }
0x3f: {  	s21 =	simm.s32 @!p1 $0x10;
	s20 =	sadd.s32 @!p1 s22, s20;
	s22 =	simm.s32 @!p1 $0x10000  }
0x40: {  	[tilespmem:s19], [sflag:$0x1] =	stream.strided.gather @!p1 [hbm4b:s20+s21], $0x800, s22, s21, $0x38;
	[tilespmem:$0x2020] =	vst v63  }
0x41: {  	p1 =	sge.u32 s31, s5  }
.Ltmp2:
0x42: {  	_ = 	snop;
	(pc) =	sbr.rel @p1 .LBB1_5-.Ltmp2, $1  }
0x43: {  	_ =	sdelay $0x3  }
0x44: {  	s19 =	simm.s32 $0x1  }
0x45: {  	s19 =	simm.s32 @!p0 $0x0  }
0x46: {  	s20 =	sshll.u32 s19, $0xB  }
0x47: {  	v1 =	vmov s20;
	_ =	sdelay $0x1  }
0x48: {  	_ =	swait.ge [sflag:s4], $0x800  }
0x49: {  	s31 =	sand.u32 $0x1, s15;
	[sflag:s4] =	ssyncset.done $0x0  }
0x4a: {  	s22 =	simm.s32 $0x0;
	s19 =	smul.u32 $0x2040, s19;
	[sflag:s4] =	ssyncadd.s32 $0xFFFFF800  }
0x4b: {  	s20 =	smul.u32 $0x2040, s31;
	v0 =	vld.idx.msk [tilespmem:v1+s22+$0x0 ss:$0x1], $0xffff;
	_ =	sdelay $0x1  }
0x4c: {  	s19 =	sshrl.u32 s19, $0x2;
	s21 =	sshrl.u32 s20, $0x2  }
0x4d: {  	s20 =	sor.u32 $0x1000, s19;
	s19 =	sor.u32 $0x1000, s21;
	s21 =	simm.s32 $0x40  }
.LBB1_3:
0x4e: {  	s22 =	sshra.s32 s21, $0x2;
	p1 =	sne.s32 s21, $0x1FC0;
	s21 =	sadd.s32 $0x40, s21  }
.Ltmp3:
0x4f: {  	[tilespmem:s20+$0x0 ss:$0x81] =	vst.msk $0xffff, v0;
	v0 =	vld.idx.msk [tilespmem:v1+s22+$0x0 ss:$0x1], $0xffff;
	(pc) =	sbr.rel @p1 .LBB1_3-.Ltmp3, $2  }
0x50: {  	_ =	sdelay $0x2  }
0x51: {  	s20 =	sadd.s32 $0x1, s20  }
.Ltmp4:
0x52: {  	_ = 	snop;
	(pc) =	sbr.rel .LBB1_4-.Ltmp4, $1  }
0x53: {  	_ =	sdelay $0x3  }
.LBB1_6:
0x54: {  	_ =	sfence.sel $0x180000  }
0x55: {  	s2 =	simm.s32 $0x1;
	[bflag:$0x0] =	sbarrier.arrive $0xFFFF  }
0x56: {  	s31 =	simm.s32 $0x2;
	[sflag:s2] =	ssyncpa.u1 $0x1  }
0x57: {  	[sflag:s31] =	ssyncpa.u1 $0x1  }
0x58: {  	p0 =	sne.s32 s0, $0x0;
	_ =	strace $0x9000004A  }
0x59: {  	s0 =	sadd.s32 @!p0 $0x100000, s1;
	[bflag:$0x2] =	sbarrier.arrive $0xFFFF  }
0x5a: {  	[sflag:s0] =	ssyncadd.tile.s32 @!p0 $0x1;
	_ =	shalt  }
.Lfunc_end1:
_tile_overlayer_lowered:
.L_overlay_start_2:
0x5b: {  	(tag) =	ssettag $0x2  }
0x5c: {  	s0 =	rddreg [dreg:$0x0];
	s2 =	stileid.u32  }
0x5d: {  	s1 =	rddreg [dreg:$0x1];
	p0 =	sne.s32 s2, $0x0  }
0x5e: {  	s3 =	rddreg [dreg:$0x2];
	[bflag:$0x3] =	sbarrier.arrive $0xFFFF;
	s2 =	simm.s32 @!p0 $0x1C01  }
0x5f: {  	[timem:s3], [sflag:s2] =	dma.local @!p0 [hbm:s0], s1  }
0x60: {  	s0 =	simm.s32 @!p0 $0x1  }
0x61: {  	_ =	swait.ge @!p0 [sflag:s0], s1  }
0x62: {  	s1 =	ssub.s32 @!p0 $0x0, s1;
	[sflag:s0] =	ssyncset.done @!p0 $0x0  }
0x63: {  	[sflag:s0] =	ssyncadd.s32 @!p0 s1  }
0x64: {  	[bflag:$0x3] =	sbarrier.arrive $0xFFFF  }
0x65: {  	_ =	shalt  }

</sc_bundles>
